<compile_context>
chip_gen: v7x
topology: tpu7x:2x2x1
jax: 0.10.2.dev20260603
libtpu: 0.0.44.dev20260713+nightly
codegen_flags: <defaults>
</compile_context>

<pallas_src>
import functools

import jax
import jax.numpy as jnp
from jax import lax
from jax.experimental import pallas as pl
from jax.experimental.pallas import tpu as pltpu
from jax.experimental.pallas import tpu_sc as plsc

_NUM_CLASSES = 1000000
_HIDDEN = 64
_DROPOUT_PROB = 0.1
_BATCH = 16384

_NC = 2
_NS = 16
_NW = _NC * _NS
_BPW = _BATCH // _NW
_K = 16
_NR = _BPW // _K


@functools.partial(
    pl.kernel,
    mesh=plsc.VectorSubcoreMesh(core_axis_name="c", subcore_axis_name="s"),
    out_type=jax.ShapeDtypeStruct((_BATCH, _HIDDEN), jnp.float32),
    scratch_types=[
        pltpu.VMEM((_BPW,), jnp.int32),
        pltpu.VMEM((_BPW, _HIDDEN), jnp.float32),
        pltpu.SemaphoreType.DMA,
    ],
)
def _gather_kernel(idx_hbm, table_hbm, out_hbm, idx_v, rows_v, rsem):
    wid = lax.axis_index("s") * _NC + lax.axis_index("c")
    base = wid * _BPW
    pltpu.sync_copy(idx_hbm.at[wid], idx_v)

    def issue_round(r):
        labs = idx_v[pl.ds(r * _K, _K)]
        for j in range(_K):
            pltpu.async_copy(table_hbm.at[labs[j]], rows_v.at[r * _K + j], rsem)

    def drain_round():
        pltpu.make_async_copy(
            table_hbm.at[pl.ds(0, _K)], rows_v.at[pl.ds(0, _K)], rsem
        ).wait()

    issue_round(0)

    def body(r, _):
        issue_round(r + 1)
        drain_round()
        return ()

    lax.fori_loop(0, _NR - 1, body, (), unroll=False)
    drain_round()
    pltpu.sync_copy(rows_v, out_hbm.at[pl.ds(base, _BPW)])


def kernel(labels, train, table):
    drop_ids = jax.random.uniform(jax.random.key(1), (labels.shape[0],)) < _DROPOUT_PROB
    labels = jnp.where((train != 0) & drop_ids, _NUM_CLASSES, labels.astype(jnp.int32))
    idx = labels.reshape(_NW, _BPW)
    return _gather_kernel(idx, table)

# --- scband reference (transcript-rebuilt; emitter-appended) ---
"""Pipeline reference for scband-label-embedder-86217173500027 (READ-ONLY COPY).

The authoritative reference and input builder live on the scoring server;
editing this copy changes nothing except your own understanding.
"""

import jax, jax.numpy as jnp
import numpy as np

NUM_CLASSES = 1000000
HIDDEN_SIZE = 64
DROPOUT_PROB = 0.1
BATCH = 16384


def setup_inputs(seed: int = 0) -> dict:
    key = jax.random.key(seed)
    k1, k2 = jax.random.split(key)
    labels = jax.random.randint(k1, (BATCH,), 0, NUM_CLASSES, dtype=jnp.int64 if jax.config.jax_enable_x64 else jnp.int32)
    # embedding table has num_classes + 1 rows because dropout_prob > 0 (CFG embedding row)
    table = jax.random.normal(k2, (NUM_CLASSES + 1, HIDDEN_SIZE), dtype=jnp.float32)
    return {"labels": labels, "train": 0, "table": table}


def reference(labels, train, table):
    use_dropout = DROPOUT_PROB > 0
    # token_drop: replace dropped labels with the CFG class index (NUM_CLASSES)
    drop_key = jax.random.key(1)
    drop_ids = jax.random.uniform(drop_key, (labels.shape[0],)) < DROPOUT_PROB
    apply_drop = (train != 0) & use_dropout
    labels = jnp.where(apply_drop & drop_ids, NUM_CLASSES, labels)
    embeddings = jnp.take(table, labels, axis=0)
    return embeddings

if __name__ == "__main__":
    import jax
    _d = setup_inputs()
    print(jax.jit(kernel)(*tuple(_d.values())))

</pallas_src>

<mosaic_0001>
#map = affine_map<(d0, d1) -> (0, 0)>
module attributes {stable_mosaic.version = 14 : i64} {
  func.func @_gather_kernel(%arg0: i32, %arg1: i32, %arg2: memref<32x512xi32, #tpu.memory_space<hbm>>, %arg3: memref<1000001x64xf32, #tpu.memory_space<hbm>>, %arg4: memref<16384x64xf32, #tpu.memory_space<hbm>>, %arg5: memref<512xi32, #tpu.memory_space<vmem>>, %arg6: memref<512x64xf32, #tpu.memory_space<vmem>>, %arg7: memref<!tpu.dma_semaphore, #tpu.memory_space<semaphore_mem>>) attributes {dimension_semantics = [#tpu.dimension_semantics<core_parallel>, #tpu.dimension_semantics<subcore_parallel>], iteration_bounds = array<i64: 2, 16>, scalar_prefetch = 0 : i64, scratch_operands = 3 : i64, tpu.core_type = #tpu.core_type<sc_vector_subcore>, window_params = [{transform_indices = #map}, {transform_indices = #map}, {transform_indices = #map}]} {
    %mul3A = arith.constant 2 : i32
    %mul3A_0 = arith.muli %arg1, %mul3A : i32
    %add3A = arith.addi %mul3A_0, %arg0 : i32
    %mul3A_1 = arith.constant 512 : i32
    %mul3A_2 = arith.muli %add3A, %mul3A_1 : i32
    "tpu.region"() ({
      %run_scoped3A = tpu.sem_alloc : memref<!tpu.dma_semaphore, #tpu.memory_space<semaphore_mem>>
      %dma_start3A_257 = arith.constant 0 : i32
      %dma_start3A_258 = tpu.memref_slice %arg2[%add3A, %dma_start3A_257] : memref<32x512xi32, #tpu.memory_space<hbm>> -> memref<1x512xi32, #tpu.memory_space<hbm>>
      %dma_start3A_259 = tpu.memref_squeeze %dma_start3A_258 : memref<1x512xi32, #tpu.memory_space<hbm>> -> memref<512xi32, #tpu.memory_space<hbm>>
      %dma_start3A_260 = arith.constant 0 : i32
      %dma_start3A_261 = tpu.memref_slice %arg2[%add3A, %dma_start3A_260] : memref<32x512xi32, #tpu.memory_space<hbm>> -> memref<1x512xi32, #tpu.memory_space<hbm>>
      %dma_start3A_262 = tpu.memref_squeeze %dma_start3A_261 : memref<1x512xi32, #tpu.memory_space<hbm>> -> memref<512xi32, #tpu.memory_space<hbm>>
      tpu.enqueue_dma source(%dma_start3A_262 : memref<512xi32, #tpu.memory_space<hbm>>) target(%arg5 : memref<512xi32, #tpu.memory_space<vmem>>) target_semaphore(%run_scoped3A : memref<!tpu.dma_semaphore, #tpu.memory_space<semaphore_mem>>)
      %dma_wait3A_263 = arith.constant 0 : i32
      %dma_wait3A_264 = tpu.memref_slice %arg2[%add3A, %dma_wait3A_263] : memref<32x512xi32, #tpu.memory_space<hbm>> -> memref<1x512xi32, #tpu.memory_space<hbm>>
      %dma_wait3A_265 = tpu.memref_squeeze %dma_wait3A_264 : memref<1x512xi32, #tpu.memory_space<hbm>> -> memref<512xi32, #tpu.memory_space<hbm>>
      %dma_wait3A_266 = arith.constant 0 : i32
      %dma_wait3A_267 = tpu.memref_slice %arg2[%add3A, %dma_wait3A_266] : memref<32x512xi32, #tpu.memory_space<hbm>> -> memref<1x512xi32, #tpu.memory_space<hbm>>
      %dma_wait3A_268 = tpu.memref_squeeze %dma_wait3A_267 : memref<1x512xi32, #tpu.memory_space<hbm>> -> memref<512xi32, #tpu.memory_space<hbm>>
      tpu.wait_dma2 semaphore(%run_scoped3A : memref<!tpu.dma_semaphore, #tpu.memory_space<semaphore_mem>>) src(%dma_wait3A_268 : memref<512xi32, #tpu.memory_space<hbm>>) dst(%arg5 : memref<512xi32, #tpu.memory_space<vmem>>)
      tpu.yield
    }) : () -> ()
    %get3A = arith.constant 0 : index
    %get3A_3 = tpu.vector_load %arg5[%get3A] {strides = array<i32>} : memref<512xi32, #tpu.memory_space<vmem>>, vector<16xi32>,
    %get3A_4 = vector.shape_cast %get3A_3 : vector<16xi32> to vector<16xi32>
    %slice3A = vector.extract_strided_slice %get3A_4 {offsets = [0], sizes = [1], strides = [1]} : vector<16xi32> to vector<1xi32>
    %squeeze3A = vector.extract %slice3A[0] : i32 from vector<1xi32>
    %dma_start3A = arith.constant 0 : i32
    %dma_start3A_5 = arith.constant 0 : i32
    %dma_start3A_6 = tpu.memref_slice %arg6[%dma_start3A, %dma_start3A_5] : memref<512x64xf32, #tpu.memory_space<vmem>> -> memref<1x64xf32, #tpu.memory_space<vmem>>
    %dma_start3A_7 = tpu.memref_squeeze %dma_start3A_6 : memref<1x64xf32, #tpu.memory_space<vmem>> -> memref<64xf32, #tpu.memory_space<vmem>>
    %dma_start3A_8 = arith.constant 0 : i32
    %dma_start3A_9 = tpu.memref_slice %arg3[%squeeze3A, %dma_start3A_8] : memref<1000001x64xf32, #tpu.memory_space<hbm>> -> memref<1x64xf32, #tpu.memory_space<hbm>>
    %dma_start3A_10 = tpu.memref_squeeze %dma_start3A_9 : memref<1x64xf32, #tpu.memory_space<hbm>> -> memref<64xf32, #tpu.memory_space<hbm>>
    %dma_start3A_11 = arith.constant 0 : i32
    %dma_start3A_12 = tpu.memref_slice %arg6[%dma_start3A, %dma_start3A_11] : memref<512x64xf32, #tpu.memory_space<vmem>> -> memref<1x64xf32, #tpu.memory_space<vmem>>
    %dma_start3A_13 = tpu.memref_squeeze %dma_start3A_12 : memref<1x64xf32, #tpu.memory_space<vmem>> -> memref<64xf32, #tpu.memory_space<vmem>>
    %dma_start3A_14 = arith.constant 0 : i32
    %dma_start3A_15 = tpu.memref_slice %arg3[%squeeze3A, %dma_start3A_14] : memref<1000001x64xf32, #tpu.memory_space<hbm>> -> memref<1x64xf32, #tpu.memory_space<hbm>>
    %dma_start3A_16 = tpu.memref_squeeze %dma_start3A_15 : memref<1x64xf32, #tpu.memory_space<hbm>> -> memref<64xf32, #tpu.memory_space<hbm>>
    tpu.enqueue_dma source(%dma_start3A_16 : memref<64xf32, #tpu.memory_space<hbm>>) target(%dma_start3A_13 : memref<64xf32, #tpu.memory_space<vmem>>) target_semaphore(%arg7 : memref<!tpu.dma_semaphore, #tpu.memory_space<semaphore_mem>>)
    %slice3A_17 = vector.extract_strided_slice %get3A_4 {offsets = [1], sizes = [1], strides = [1]} : vector<16xi32> to vector<1xi32>
    %squeeze3A_18 = vector.extract %slice3A_17[0] : i32 from vector<1xi32>
    %dma_start3A_19 = arith.constant 1 : i32
    %dma_start3A_20 = arith.constant 0 : i32
    %dma_start3A_21 = tpu.memref_slice %arg6[%dma_start3A_19, %dma_start3A_20] : memref<512x64xf32, #tpu.memory_space<vmem>> -> memref<1x64xf32, #tpu.memory_space<vmem>>
    %dma_start3A_22 = tpu.memref_squeeze %dma_start3A_21 : memref<1x64xf32, #tpu.memory_space<vmem>> -> memref<64xf32, #tpu.memory_space<vmem>>
    %dma_start3A_23 = arith.constant 0 : i32
    %dma_start3A_24 = tpu.memref_slice %arg3[%squeeze3A_18, %dma_start3A_23] : memref<1000001x64xf32, #tpu.memory_space<hbm>> -> memref<1x64xf32, #tpu.memory_space<hbm>>
    %dma_start3A_25 = tpu.memref_squeeze %dma_start3A_24 : memref<1x64xf32, #tpu.memory_space<hbm>> -> memref<64xf32, #tpu.memory_space<hbm>>
    %dma_start3A_26 = arith.constant 0 : i32
    %dma_start3A_27 = tpu.memref_slice %arg6[%dma_start3A_19, %dma_start3A_26] : memref<512x64xf32, #tpu.memory_space<vmem>> -> memref<1x64xf32, #tpu.memory_space<vmem>>
    %dma_start3A_28 = tpu.memref_squeeze %dma_start3A_27 : memref<1x64xf32, #tpu.memory_space<vmem>> -> memref<64xf32, #tpu.memory_space<vmem>>
    %dma_start3A_29 = arith.constant 0 : i32
    %dma_start3A_30 = tpu.memref_slice %arg3[%squeeze3A_18, %dma_start3A_29] : memref<1000001x64xf32, #tpu.memory_space<hbm>> -> memref<1x64xf32, #tpu.memory_space<hbm>>
    %dma_start3A_31 = tpu.memref_squeeze %dma_start3A_30 : memref<1x64xf32, #tpu.memory_space<hbm>> -> memref<64xf32, #tpu.memory_space<hbm>>
    tpu.enqueue_dma source(%dma_start3A_31 : memref<64xf32, #tpu.memory_space<hbm>>) target(%dma_start3A_28 : memref<64xf32, #tpu.memory_space<vmem>>) target_semaphore(%arg7 : memref<!tpu.dma_semaphore, #tpu.memory_space<semaphore_mem>>)
    %slice3A_32 = vector.extract_strided_slice %get3A_4 {offsets = [2], sizes = [1], strides = [1]} : vector<16xi32> to vector<1xi32>
    %squeeze3A_33 = vector.extract %slice3A_32[0] : i32 from vector<1xi32>
    %dma_start3A_34 = arith.constant 2 : i32
    %dma_start3A_35 = arith.constant 0 : i32
    %dma_start3A_36 = tpu.memref_slice %arg6[%dma_start3A_34, %dma_start3A_35] : memref<512x64xf32, #tpu.memory_space<vmem>> -> memref<1x64xf32, #tpu.memory_space<vmem>>
    %dma_start3A_37 = tpu.memref_squeeze %dma_start3A_36 : memref<1x64xf32, #tpu.memory_space<vmem>> -> memref<64xf32, #tpu.memory_space<vmem>>
    %dma_start3A_38 = arith.constant 0 : i32
    %dma_start3A_39 = tpu.memref_slice %arg3[%squeeze3A_33, %dma_start3A_38] : memref<1000001x64xf32, #tpu.memory_space<hbm>> -> memref<1x64xf32, #tpu.memory_space<hbm>>
    %dma_start3A_40 = tpu.memref_squeeze %dma_start3A_39 : memref<1x64xf32, #tpu.memory_space<hbm>> -> memref<64xf32, #tpu.memory_space<hbm>>
    %dma_start3A_41 = arith.constant 0 : i32
    %dma_start3A_42 = tpu.memref_slice %arg6[%dma_start3A_34, %dma_start3A_41] : memref<512x64xf32, #tpu.memory_space<vmem>> -> memref<1x64xf32, #tpu.memory_space<vmem>>
    %dma_start3A_43 = tpu.memref_squeeze %dma_start3A_42 : memref<1x64xf32, #tpu.memory_space<vmem>> -> memref<64xf32, #tpu.memory_space<vmem>>
    %dma_start3A_44 = arith.constant 0 : i32
    %dma_start3A_45 = tpu.memref_slice %arg3[%squeeze3A_33, %dma_start3A_44] : memref<1000001x64xf32, #tpu.memory_space<hbm>> -> memref<1x64xf32, #tpu.memory_space<hbm>>
    %dma_start3A_46 = tpu.memref_squeeze %dma_start3A_45 : memref<1x64xf32, #tpu.memory_space<hbm>> -> memref<64xf32, #tpu.memory_space<hbm>>
    tpu.enqueue_dma source(%dma_start3A_46 : memref<64xf32, #tpu.memory_space<hbm>>) target(%dma_start3A_43 : memref<64xf32, #tpu.memory_space<vmem>>) target_semaphore(%arg7 : memref<!tpu.dma_semaphore, #tpu.memory_space<semaphore_mem>>)
    %slice3A_47 = vector.extract_strided_slice %get3A_4 {offsets = [3], sizes = [1], strides = [1]} : vector<16xi32> to vector<1xi32>
    %squeeze3A_48 = vector.extract %slice3A_47[0] : i32 from vector<1xi32>
    %dma_start3A_49 = arith.constant 3 : i32
    %dma_start3A_50 = arith.constant 0 : i32
    %dma_start3A_51 = tpu.memref_slice %arg6[%dma_start3A_49, %dma_start3A_50] : memref<512x64xf32, #tpu.memory_space<vmem>> -> memref<1x64xf32, #tpu.memory_space<vmem>>
    %dma_start3A_52 = tpu.memref_squeeze %dma_start3A_51 : memref<1x64xf32, #tpu.memory_space<vmem>> -> memref<64xf32, #tpu.memory_space<vmem>>
    %dma_start3A_53 = arith.constant 0 : i32
    %dma_start3A_54 = tpu.memref_slice %arg3[%squeeze3A_48, %dma_start3A_53] : memref<1000001x64xf32, #tpu.memory_space<hbm>> -> memref<1x64xf32, #tpu.memory_space<hbm>>
    %dma_start3A_55 = tpu.memref_squeeze %dma_start3A_54 : memref<1x64xf32, #tpu.memory_space<hbm>> -> memref<64xf32, #tpu.memory_space<hbm>>
    %dma_start3A_56 = arith.constant 0 : i32
    %dma_start3A_57 = tpu.memref_slice %arg6[%dma_start3A_49, %dma_start3A_56] : memref<512x64xf32, #tpu.memory_space<vmem>> -> memref<1x64xf32, #tpu.memory_space<vmem>>
    %dma_start3A_58 = tpu.memref_squeeze %dma_start3A_57 : memref<1x64xf32, #tpu.memory_space<vmem>> -> memref<64xf32, #tpu.memory_space<vmem>>
    %dma_start3A_59 = arith.constant 0 : i32
    %dma_start3A_60 = tpu.memref_slice %arg3[%squeeze3A_48, %dma_start3A_59] : memref<1000001x64xf32, #tpu.memory_space<hbm>> -> memref<1x64xf32, #tpu.memory_space<hbm>>
    %dma_start3A_61 = tpu.memref_squeeze %dma_start3A_60 : memref<1x64xf32, #tpu.memory_space<hbm>> -> memref<64xf32, #tpu.memory_space<hbm>>
    tpu.enqueue_dma source(%dma_start3A_61 : memref<64xf32, #tpu.memory_space<hbm>>) target(%dma_start3A_58 : memref<64xf32, #tpu.memory_space<vmem>>) target_semaphore(%arg7 : memref<!tpu.dma_semaphore, #tpu.memory_space<semaphore_mem>>)
    %slice3A_62 = vector.extract_strided_slice %get3A_4 {offsets = [4], sizes = [1], strides = [1]} : vector<16xi32> to vector<1xi32>
    %squeeze3A_63 = vector.extract %slice3A_62[0] : i32 from vector<1xi32>
    %dma_start3A_64 = arith.constant 4 : i32
    %dma_start3A_65 = arith.constant 0 : i32
    %dma_start3A_66 = tpu.memref_slice %arg6[%dma_start3A_64, %dma_start3A_65] : memref<512x64xf32, #tpu.memory_space<vmem>> -> memref<1x64xf32, #tpu.memory_space<vmem>>
    %dma_start3A_67 = tpu.memref_squeeze %dma_start3A_66 : memref<1x64xf32, #tpu.memory_space<vmem>> -> memref<64xf32, #tpu.memory_space<vmem>>
    %dma_start3A_68 = arith.constant 0 : i32
    %dma_start3A_69 = tpu.memref_slice %arg3[%squeeze3A_63, %dma_start3A_68] : memref<1000001x64xf32, #tpu.memory_space<hbm>> -> memref<1x64xf32, #tpu.memory_space<hbm>>
    %dma_start3A_70 = tpu.memref_squeeze %dma_start3A_69 : memref<1x64xf32, #tpu.memory_space<hbm>> -> memref<64xf32, #tpu.memory_space<hbm>>
    %dma_start3A_71 = arith.constant 0 : i32
    %dma_start3A_72 = tpu.memref_slice %arg6[%dma_start3A_64, %dma_start3A_71] : memref<512x64xf32, #tpu.memory_space<vmem>> -> memref<1x64xf32, #tpu.memory_space<vmem>>
    %dma_start3A_73 = tpu.memref_squeeze %dma_start3A_72 : memref<1x64xf32, #tpu.memory_space<vmem>> -> memref<64xf32, #tpu.memory_space<vmem>>
    %dma_start3A_74 = arith.constant 0 : i32
    %dma_start3A_75 = tpu.memref_slice %arg3[%squeeze3A_63, %dma_start3A_74] : memref<1000001x64xf32, #tpu.memory_space<hbm>> -> memref<1x64xf32, #tpu.memory_space<hbm>>
    %dma_start3A_76 = tpu.memref_squeeze %dma_start3A_75 : memref<1x64xf32, #tpu.memory_space<hbm>> -> memref<64xf32, #tpu.memory_space<hbm>>
    tpu.enqueue_dma source(%dma_start3A_76 : memref<64xf32, #tpu.memory_space<hbm>>) target(%dma_start3A_73 : memref<64xf32, #tpu.memory_space<vmem>>) target_semaphore(%arg7 : memref<!tpu.dma_semaphore, #tpu.memory_space<semaphore_mem>>)
    %slice3A_77 = vector.extract_strided_slice %get3A_4 {offsets = [5], sizes = [1], strides = [1]} : vector<16xi32> to vector<1xi32>
    %squeeze3A_78 = vector.extract %slice3A_77[0] : i32 from vector<1xi32>
    %dma_start3A_79 = arith.constant 5 : i32
    %dma_start3A_80 = arith.constant 0 : i32
    %dma_start3A_81 = tpu.memref_slice %arg6[%dma_start3A_79, %dma_start3A_80] : memref<512x64xf32, #tpu.memory_space<vmem>> -> memref<1x64xf32, #tpu.memory_space<vmem>>
    %dma_start3A_82 = tpu.memref_squeeze %dma_start3A_81 : memref<1x64xf32, #tpu.memory_space<vmem>> -> memref<64xf32, #tpu.memory_space<vmem>>
    %dma_start3A_83 = arith.constant 0 : i32
    %dma_start3A_84 = tpu.memref_slice %arg3[%squeeze3A_78, %dma_start3A_83] : memref<1000001x64xf32, #tpu.memory_space<hbm>> -> memref<1x64xf32, #tpu.memory_space<hbm>>
    %dma_start3A_85 = tpu.memref_squeeze %dma_start3A_84 : memref<1x64xf32, #tpu.memory_space<hbm>> -> memref<64xf32, #tpu.memory_space<hbm>>
    %dma_start3A_86 = arith.constant 0 : i32
    %dma_start3A_87 = tpu.memref_slice %arg6[%dma_start3A_79, %dma_start3A_86] : memref<512x64xf32, #tpu.memory_space<vmem>> -> memref<1x64xf32, #tpu.memory_space<vmem>>
    %dma_start3A_88 = tpu.memref_squeeze %dma_start3A_87 : memref<1x64xf32, #tpu.memory_space<vmem>> -> memref<64xf32, #tpu.memory_space<vmem>>
    %dma_start3A_89 = arith.constant 0 : i32
    %dma_start3A_90 = tpu.memref_slice %arg3[%squeeze3A_78, %dma_start3A_89] : memref<1000001x64xf32, #tpu.memory_space<hbm>> -> memref<1x64xf32, #tpu.memory_space<hbm>>
    %dma_start3A_91 = tpu.memref_squeeze %dma_start3A_90 : memref<1x64xf32, #tpu.memory_space<hbm>> -> memref<64xf32, #tpu.memory_space<hbm>>
    tpu.enqueue_dma source(%dma_start3A_91 : memref<64xf32, #tpu.memory_space<hbm>>) target(%dma_start3A_88 : memref<64xf32, #tpu.memory_space<vmem>>) target_semaphore(%arg7 : memref<!tpu.dma_semaphore, #tpu.memory_space<semaphore_mem>>)
    %slice3A_92 = vector.extract_strided_slice %get3A_4 {offsets = [6], sizes = [1], strides = [1]} : vector<16xi32> to vector<1xi32>
    %squeeze3A_93 = vector.extract %slice3A_92[0] : i32 from vector<1xi32>
    %dma_start3A_94 = arith.constant 6 : i32
    %dma_start3A_95 = arith.constant 0 : i32
    %dma_start3A_96 = tpu.memref_slice %arg6[%dma_start3A_94, %dma_start3A_95] : memref<512x64xf32, #tpu.memory_space<vmem>> -> memref<1x64xf32, #tpu.memory_space<vmem>>
    %dma_start3A_97 = tpu.memref_squeeze %dma_start3A_96 : memref<1x64xf32, #tpu.memory_space<vmem>> -> memref<64xf32, #tpu.memory_space<vmem>>
    %dma_start3A_98 = arith.constant 0 : i32
    %dma_start3A_99 = tpu.memref_slice %arg3[%squeeze3A_93, %dma_start3A_98] : memref<1000001x64xf32, #tpu.memory_space<hbm>> -> memref<1x64xf32, #tpu.memory_space<hbm>>
    %dma_start3A_100 = tpu.memref_squeeze %dma_start3A_99 : memref<1x64xf32, #tpu.memory_space<hbm>> -> memref<64xf32, #tpu.memory_space<hbm>>
    %dma_start3A_101 = arith.constant 0 : i32
    %dma_start3A_102 = tpu.memref_slice %arg6[%dma_start3A_94, %dma_start3A_101] : memref<512x64xf32, #tpu.memory_space<vmem>> -> memref<1x64xf32, #tpu.memory_space<vmem>>
    %dma_start3A_103 = tpu.memref_squeeze %dma_start3A_102 : memref<1x64xf32, #tpu.memory_space<vmem>> -> memref<64xf32, #tpu.memory_space<vmem>>
    %dma_start3A_104 = arith.constant 0 : i32
    %dma_start3A_105 = tpu.memref_slice %arg3[%squeeze3A_93, %dma_start3A_104] : memref<1000001x64xf32, #tpu.memory_space<hbm>> -> memref<1x64xf32, #tpu.memory_space<hbm>>
    %dma_start3A_106 = tpu.memref_squeeze %dma_start3A_105 : memref<1x64xf32, #tpu.memory_space<hbm>> -> memref<64xf32, #tpu.memory_space<hbm>>
    tpu.enqueue_dma source(%dma_start3A_106 : memref<64xf32, #tpu.memory_space<hbm>>) target(%dma_start3A_103 : memref<64xf32, #tpu.memory_space<vmem>>) target_semaphore(%arg7 : memref<!tpu.dma_semaphore, #tpu.memory_space<semaphore_mem>>)
    %slice3A_107 = vector.extract_strided_slice %get3A_4 {offsets = [7], sizes = [1], strides = [1]} : vector<16xi32> to vector<1xi32>
    %squeeze3A_108 = vector.extract %slice3A_107[0] : i32 from vector<1xi32>
    %dma_start3A_109 = arith.constant 7 : i32
    %dma_start3A_110 = arith.constant 0 : i32
    %dma_start3A_111 = tpu.memref_slice %arg6[%dma_start3A_109, %dma_start3A_110] : memref<512x64xf32, #tpu.memory_space<vmem>> -> memref<1x64xf32, #tpu.memory_space<vmem>>
    %dma_start3A_112 = tpu.memref_squeeze %dma_start3A_111 : memref<1x64xf32, #tpu.memory_space<vmem>> -> memref<64xf32, #tpu.memory_space<vmem>>
    %dma_start3A_113 = arith.constant 0 : i32
    %dma_start3A_114 = tpu.memref_slice %arg3[%squeeze3A_108, %dma_start3A_113] : memref<1000001x64xf32, #tpu.memory_space<hbm>> -> memref<1x64xf32, #tpu.memory_space<hbm>>
    %dma_start3A_115 = tpu.memref_squeeze %dma_start3A_114 : memref<1x64xf32, #tpu.memory_space<hbm>> -> memref<64xf32, #tpu.memory_space<hbm>>
    %dma_start3A_116 = arith.constant 0 : i32
    %dma_start3A_117 = tpu.memref_slice %arg6[%dma_start3A_109, %dma_start3A_116] : memref<512x64xf32, #tpu.memory_space<vmem>> -> memref<1x64xf32, #tpu.memory_space<vmem>>
    %dma_start3A_118 = tpu.memref_squeeze %dma_start3A_117 : memref<1x64xf32, #tpu.memory_space<vmem>> -> memref<64xf32, #tpu.memory_space<vmem>>
    %dma_start3A_119 = arith.constant 0 : i32
    %dma_start3A_120 = tpu.memref_slice %arg3[%squeeze3A_108, %dma_start3A_119] : memref<1000001x64xf32, #tpu.memory_space<hbm>> -> memref<1x64xf32, #tpu.memory_space<hbm>>
    %dma_start3A_121 = tpu.memref_squeeze %dma_start3A_120 : memref<1x64xf32, #tpu.memory_space<hbm>> -> memref<64xf32, #tpu.memory_space<hbm>>
    tpu.enqueue_dma source(%dma_start3A_121 : memref<64xf32, #tpu.memory_space<hbm>>) target(%dma_start3A_118 : memref<64xf32, #tpu.memory_space<vmem>>) target_semaphore(%arg7 : memref<!tpu.dma_semaphore, #tpu.memory_space<semaphore_mem>>)
    %slice3A_122 = vector.extract_strided_slice %get3A_4 {offsets = [8], sizes = [1], strides = [1]} : vector<16xi32> to vector<1xi32>
    %squeeze3A_123 = vector.extract %slice3A_122[0] : i32 from vector<1xi32>
    %dma_start3A_124 = arith.constant 8 : i32
    %dma_start3A_125 = arith.constant 0 : i32
    %dma_start3A_126 = tpu.memref_slice %arg6[%dma_start3A_124, %dma_start3A_125] : memref<512x64xf32, #tpu.memory_space<vmem>> -> memref<1x64xf32, #tpu.memory_space<vmem>>
    %dma_start3A_127 = tpu.memref_squeeze %dma_start3A_126 : memref<1x64xf32, #tpu.memory_space<vmem>> -> memref<64xf32, #tpu.memory_space<vmem>>
    %dma_start3A_128 = arith.constant 0 : i32
    %dma_start3A_129 = tpu.memref_slice %arg3[%squeeze3A_123, %dma_start3A_128] : memref<1000001x64xf32, #tpu.memory_space<hbm>> -> memref<1x64xf32, #tpu.memory_space<hbm>>
    %dma_start3A_130 = tpu.memref_squeeze %dma_start3A_129 : memref<1x64xf32, #tpu.memory_space<hbm>> -> memref<64xf32, #tpu.memory_space<hbm>>
    %dma_start3A_131 = arith.constant 0 : i32
    %dma_start3A_132 = tpu.memref_slice %arg6[%dma_start3A_124, %dma_start3A_131] : memref<512x64xf32, #tpu.memory_space<vmem>> -> memref<1x64xf32, #tpu.memory_space<vmem>>
    %dma_start3A_133 = tpu.memref_squeeze %dma_start3A_132 : memref<1x64xf32, #tpu.memory_space<vmem>> -> memref<64xf32, #tpu.memory_space<vmem>>
    %dma_start3A_134 = arith.constant 0 : i32
    %dma_start3A_135 = tpu.memref_slice %arg3[%squeeze3A_123, %dma_start3A_134] : memref<1000001x64xf32, #tpu.memory_space<hbm>> -> memref<1x64xf32, #tpu.memory_space<hbm>>
    %dma_start3A_136 = tpu.memref_squeeze %dma_start3A_135 : memref<1x64xf32, #tpu.memory_space<hbm>> -> memref<64xf32, #tpu.memory_space<hbm>>
    tpu.enqueue_dma source(%dma_start3A_136 : memref<64xf32, #tpu.memory_space<hbm>>) target(%dma_start3A_133 : memref<64xf32, #tpu.memory_space<vmem>>) target_semaphore(%arg7 : memref<!tpu.dma_semaphore, #tpu.memory_space<semaphore_mem>>)
    %slice3A_137 = vector.extract_strided_slice %get3A_4 {offsets = [9], sizes = [1], strides = [1]} : vector<16xi32> to vector<1xi32>
    %squeeze3A_138 = vector.extract %slice3A_137[0] : i32 from vector<1xi32>
    %dma_start3A_139 = arith.constant 9 : i32
    %dma_start3A_140 = arith.constant 0 : i32
    %dma_start3A_141 = tpu.memref_slice %arg6[%dma_start3A_139, %dma_start3A_140] : memref<512x64xf32, #tpu.memory_space<vmem>> -> memref<1x64xf32, #tpu.memory_space<vmem>>
    %dma_start3A_142 = tpu.memref_squeeze %dma_start3A_141 : memref<1x64xf32, #tpu.memory_space<vmem>> -> memref<64xf32, #tpu.memory_space<vmem>>
    %dma_start3A_143 = arith.constant 0 : i32
    %dma_start3A_144 = tpu.memref_slice %arg3[%squeeze3A_138, %dma_start3A_143] : memref<1000001x64xf32, #tpu.memory_space<hbm>> -> memref<1x64xf32, #tpu.memory_space<hbm>>
    %dma_start3A_145 = tpu.memref_squeeze %dma_start3A_144 : memref<1x64xf32, #tpu.memory_space<hbm>> -> memref<64xf32, #tpu.memory_space<hbm>>
    %dma_start3A_146 = arith.constant 0 : i32
    %dma_start3A_147 = tpu.memref_slice %arg6[%dma_start3A_139, %dma_start3A_146] : memref<512x64xf32, #tpu.memory_space<vmem>> -> memref<1x64xf32, #tpu.memory_space<vmem>>
    %dma_start3A_148 = tpu.memref_squeeze %dma_start3A_147 : memref<1x64xf32, #tpu.memory_space<vmem>> -> memref<64xf32, #tpu.memory_space<vmem>>
    %dma_start3A_149 = arith.constant 0 : i32
    %dma_start3A_150 = tpu.memref_slice %arg3[%squeeze3A_138, %dma_start3A_149] : memref<1000001x64xf32, #tpu.memory_space<hbm>> -> memref<1x64xf32, #tpu.memory_space<hbm>>
    %dma_start3A_151 = tpu.memref_squeeze %dma_start3A_150 : memref<1x64xf32, #tpu.memory_space<hbm>> -> memref<64xf32, #tpu.memory_space<hbm>>
    tpu.enqueue_dma source(%dma_start3A_151 : memref<64xf32, #tpu.memory_space<hbm>>) target(%dma_start3A_148 : memref<64xf32, #tpu.memory_space<vmem>>) target_semaphore(%arg7 : memref<!tpu.dma_semaphore, #tpu.memory_space<semaphore_mem>>)
    %slice3A_152 = vector.extract_strided_slice %get3A_4 {offsets = [10], sizes = [1], strides = [1]} : vector<16xi32> to vector<1xi32>
    %squeeze3A_153 = vector.extract %slice3A_152[0] : i32 from vector<1xi32>
    %dma_start3A_154 = arith.constant 10 : i32
    %dma_start3A_155 = arith.constant 0 : i32
    %dma_start3A_156 = tpu.memref_slice %arg6[%dma_start3A_154, %dma_start3A_155] : memref<512x64xf32, #tpu.memory_space<vmem>> -> memref<1x64xf32, #tpu.memory_space<vmem>>
    %dma_start3A_157 = tpu.memref_squeeze %dma_start3A_156 : memref<1x64xf32, #tpu.memory_space<vmem>> -> memref<64xf32, #tpu.memory_space<vmem>>
    %dma_start3A_158 = arith.constant 0 : i32
    %dma_start3A_159 = tpu.memref_slice %arg3[%squeeze3A_153, %dma_start3A_158] : memref<1000001x64xf32, #tpu.memory_space<hbm>> -> memref<1x64xf32, #tpu.memory_space<hbm>>
    %dma_start3A_160 = tpu.memref_squeeze %dma_start3A_159 : memref<1x64xf32, #tpu.memory_space<hbm>> -> memref<64xf32, #tpu.memory_space<hbm>>
    %dma_start3A_161 = arith.constant 0 : i32
    %dma_start3A_162 = tpu.memref_slice %arg6[%dma_start3A_154, %dma_start3A_161] : memref<512x64xf32, #tpu.memory_space<vmem>> -> memref<1x64xf32, #tpu.memory_space<vmem>>
    %dma_start3A_163 = tpu.memref_squeeze %dma_start3A_162 : memref<1x64xf32, #tpu.memory_space<vmem>> -> memref<64xf32, #tpu.memory_space<vmem>>
    %dma_start3A_164 = arith.constant 0 : i32
    %dma_start3A_165 = tpu.memref_slice %arg3[%squeeze3A_153, %dma_start3A_164] : memref<1000001x64xf32, #tpu.memory_space<hbm>> -> memref<1x64xf32, #tpu.memory_space<hbm>>
    %dma_start3A_166 = tpu.memref_squeeze %dma_start3A_165 : memref<1x64xf32, #tpu.memory_space<hbm>> -> memref<64xf32, #tpu.memory_space<hbm>>
    tpu.enqueue_dma source(%dma_start3A_166 : memref<64xf32, #tpu.memory_space<hbm>>) target(%dma_start3A_163 : memref<64xf32, #tpu.memory_space<vmem>>) target_semaphore(%arg7 : memref<!tpu.dma_semaphore, #tpu.memory_space<semaphore_mem>>)
    %slice3A_167 = vector.extract_strided_slice %get3A_4 {offsets = [11], sizes = [1], strides = [1]} : vector<16xi32> to vector<1xi32>
    %squeeze3A_168 = vector.extract %slice3A_167[0] : i32 from vector<1xi32>
    %dma_start3A_169 = arith.constant 11 : i32
    %dma_start3A_170 = arith.constant 0 : i32
    %dma_start3A_171 = tpu.memref_slice %arg6[%dma_start3A_169, %dma_start3A_170] : memref<512x64xf32, #tpu.memory_space<vmem>> -> memref<1x64xf32, #tpu.memory_space<vmem>>
    %dma_start3A_172 = tpu.memref_squeeze %dma_start3A_171 : memref<1x64xf32, #tpu.memory_space<vmem>> -> memref<64xf32, #tpu.memory_space<vmem>>
    %dma_start3A_173 = arith.constant 0 : i32
    %dma_start3A_174 = tpu.memref_slice %arg3[%squeeze3A_168, %dma_start3A_173] : memref<1000001x64xf32, #tpu.memory_space<hbm>> -> memref<1x64xf32, #tpu.memory_space<hbm>>
    %dma_start3A_175 = tpu.memref_squeeze %dma_start3A_174 : memref<1x64xf32, #tpu.memory_space<hbm>> -> memref<64xf32, #tpu.memory_space<hbm>>
    %dma_start3A_176 = arith.constant 0 : i32
    %dma_start3A_177 = tpu.memref_slice %arg6[%dma_start3A_169, %dma_start3A_176] : memref<512x64xf32, #tpu.memory_space<vmem>> -> memref<1x64xf32, #tpu.memory_space<vmem>>
    %dma_start3A_178 = tpu.memref_squeeze %dma_start3A_177 : memref<1x64xf32, #tpu.memory_space<vmem>> -> memref<64xf32, #tpu.memory_space<vmem>>
    %dma_start3A_179 = arith.constant 0 : i32
    %dma_start3A_180 = tpu.memref_slice %arg3[%squeeze3A_168, %dma_start3A_179] : memref<1000001x64xf32, #tpu.memory_space<hbm>> -> memref<1x64xf32, #tpu.memory_space<hbm>>
    %dma_start3A_181 = tpu.memref_squeeze %dma_start3A_180 : memref<1x64xf32, #tpu.memory_space<hbm>> -> memref<64xf32, #tpu.memory_space<hbm>>
    tpu.enqueue_dma source(%dma_start3A_181 : memref<64xf32, #tpu.memory_space<hbm>>) target(%dma_start3A_178 : memref<64xf32, #tpu.memory_space<vmem>>) target_semaphore(%arg7 : memref<!tpu.dma_semaphore, #tpu.memory_space<semaphore_mem>>)
    %slice3A_182 = vector.extract_strided_slice %get3A_4 {offsets = [12], sizes = [1], strides = [1]} : vector<16xi32> to vector<1xi32>
    %squeeze3A_183 = vector.extract %slice3A_182[0] : i32 from vector<1xi32>
    %dma_start3A_184 = arith.constant 12 : i32
    %dma_start3A_185 = arith.constant 0 : i32
    %dma_start3A_186 = tpu.memref_slice %arg6[%dma_start3A_184, %dma_start3A_185] : memref<512x64xf32, #tpu.memory_space<vmem>> -> memref<1x64xf32, #tpu.memory_space<vmem>>
    %dma_start3A_187 = tpu.memref_squeeze %dma_start3A_186 : memref<1x64xf32, #tpu.memory_space<vmem>> -> memref<64xf32, #tpu.memory_space<vmem>>
    %dma_start3A_188 = arith.constant 0 : i32
    %dma_start3A_189 = tpu.memref_slice %arg3[%squeeze3A_183, %dma_start3A_188] : memref<1000001x64xf32, #tpu.memory_space<hbm>> -> memref<1x64xf32, #tpu.memory_space<hbm>>
    %dma_start3A_190 = tpu.memref_squeeze %dma_start3A_189 : memref<1x64xf32, #tpu.memory_space<hbm>> -> memref<64xf32, #tpu.memory_space<hbm>>
    %dma_start3A_191 = arith.constant 0 : i32
    %dma_start3A_192 = tpu.memref_slice %arg6[%dma_start3A_184, %dma_start3A_191] : memref<512x64xf32, #tpu.memory_space<vmem>> -> memref<1x64xf32, #tpu.memory_space<vmem>>
    %dma_start3A_193 = tpu.memref_squeeze %dma_start3A_192 : memref<1x64xf32, #tpu.memory_space<vmem>> -> memref<64xf32, #tpu.memory_space<vmem>>
    %dma_start3A_194 = arith.constant 0 : i32
    %dma_start3A_195 = tpu.memref_slice %arg3[%squeeze3A_183, %dma_start3A_194] : memref<1000001x64xf32, #tpu.memory_space<hbm>> -> memref<1x64xf32, #tpu.memory_space<hbm>>
    %dma_start3A_196 = tpu.memref_squeeze %dma_start3A_195 : memref<1x64xf32, #tpu.memory_space<hbm>> -> memref<64xf32, #tpu.memory_space<hbm>>
    tpu.enqueue_dma source(%dma_start3A_196 : memref<64xf32, #tpu.memory_space<hbm>>) target(%dma_start3A_193 : memref<64xf32, #tpu.memory_space<vmem>>) target_semaphore(%arg7 : memref<!tpu.dma_semaphore, #tpu.memory_space<semaphore_mem>>)
    %slice3A_197 = vector.extract_strided_slice %get3A_4 {offsets = [13], sizes = [1], strides = [1]} : vector<16xi32> to vector<1xi32>
    %squeeze3A_198 = vector.extract %slice3A_197[0] : i32 from vector<1xi32>
    %dma_start3A_199 = arith.constant 13 : i32
    %dma_start3A_200 = arith.constant 0 : i32
    %dma_start3A_201 = tpu.memref_slice %arg6[%dma_start3A_199, %dma_start3A_200] : memref<512x64xf32, #tpu.memory_space<vmem>> -> memref<1x64xf32, #tpu.memory_space<vmem>>
    %dma_start3A_202 = tpu.memref_squeeze %dma_start3A_201 : memref<1x64xf32, #tpu.memory_space<vmem>> -> memref<64xf32, #tpu.memory_space<vmem>>
    %dma_start3A_203 = arith.constant 0 : i32
    %dma_start3A_204 = tpu.memref_slice %arg3[%squeeze3A_198, %dma_start3A_203] : memref<1000001x64xf32, #tpu.memory_space<hbm>> -> memref<1x64xf32, #tpu.memory_space<hbm>>
    %dma_start3A_205 = tpu.memref_squeeze %dma_start3A_204 : memref<1x64xf32, #tpu.memory_space<hbm>> -> memref<64xf32, #tpu.memory_space<hbm>>
    %dma_start3A_206 = arith.constant 0 : i32
    %dma_start3A_207 = tpu.memref_slice %arg6[%dma_start3A_199, %dma_start3A_206] : memref<512x64xf32, #tpu.memory_space<vmem>> -> memref<1x64xf32, #tpu.memory_space<vmem>>
    %dma_start3A_208 = tpu.memref_squeeze %dma_start3A_207 : memref<1x64xf32, #tpu.memory_space<vmem>> -> memref<64xf32, #tpu.memory_space<vmem>>
    %dma_start3A_209 = arith.constant 0 : i32
    %dma_start3A_210 = tpu.memref_slice %arg3[%squeeze3A_198, %dma_start3A_209] : memref<1000001x64xf32, #tpu.memory_space<hbm>> -> memref<1x64xf32, #tpu.memory_space<hbm>>
    %dma_start3A_211 = tpu.memref_squeeze %dma_start3A_210 : memref<1x64xf32, #tpu.memory_space<hbm>> -> memref<64xf32, #tpu.memory_space<hbm>>
    tpu.enqueue_dma source(%dma_start3A_211 : memref<64xf32, #tpu.memory_space<hbm>>) target(%dma_start3A_208 : memref<64xf32, #tpu.memory_space<vmem>>) target_semaphore(%arg7 : memref<!tpu.dma_semaphore, #tpu.memory_space<semaphore_mem>>)
    %slice3A_212 = vector.extract_strided_slice %get3A_4 {offsets = [14], sizes = [1], strides = [1]} : vector<16xi32> to vector<1xi32>
    %squeeze3A_213 = vector.extract %slice3A_212[0] : i32 from vector<1xi32>
    %dma_start3A_214 = arith.constant 14 : i32
    %dma_start3A_215 = arith.constant 0 : i32
    %dma_start3A_216 = tpu.memref_slice %arg6[%dma_start3A_214, %dma_start3A_215] : memref<512x64xf32, #tpu.memory_space<vmem>> -> memref<1x64xf32, #tpu.memory_space<vmem>>
    %dma_start3A_217 = tpu.memref_squeeze %dma_start3A_216 : memref<1x64xf32, #tpu.memory_space<vmem>> -> memref<64xf32, #tpu.memory_space<vmem>>
    %dma_start3A_218 = arith.constant 0 : i32
    %dma_start3A_219 = tpu.memref_slice %arg3[%squeeze3A_213, %dma_start3A_218] : memref<1000001x64xf32, #tpu.memory_space<hbm>> -> memref<1x64xf32, #tpu.memory_space<hbm>>
    %dma_start3A_220 = tpu.memref_squeeze %dma_start3A_219 : memref<1x64xf32, #tpu.memory_space<hbm>> -> memref<64xf32, #tpu.memory_space<hbm>>
    %dma_start3A_221 = arith.constant 0 : i32
    %dma_start3A_222 = tpu.memref_slice %arg6[%dma_start3A_214, %dma_start3A_221] : memref<512x64xf32, #tpu.memory_space<vmem>> -> memref<1x64xf32, #tpu.memory_space<vmem>>
    %dma_start3A_223 = tpu.memref_squeeze %dma_start3A_222 : memref<1x64xf32, #tpu.memory_space<vmem>> -> memref<64xf32, #tpu.memory_space<vmem>>
    %dma_start3A_224 = arith.constant 0 : i32
    %dma_start3A_225 = tpu.memref_slice %arg3[%squeeze3A_213, %dma_start3A_224] : memref<1000001x64xf32, #tpu.memory_space<hbm>> -> memref<1x64xf32, #tpu.memory_space<hbm>>
    %dma_start3A_226 = tpu.memref_squeeze %dma_start3A_225 : memref<1x64xf32, #tpu.memory_space<hbm>> -> memref<64xf32, #tpu.memory_space<hbm>>
    tpu.enqueue_dma source(%dma_start3A_226 : memref<64xf32, #tpu.memory_space<hbm>>) target(%dma_start3A_223 : memref<64xf32, #tpu.memory_space<vmem>>) target_semaphore(%arg7 : memref<!tpu.dma_semaphore, #tpu.memory_space<semaphore_mem>>)
    %slice3A_227 = vector.extract_strided_slice %get3A_4 {offsets = [15], sizes = [1], strides = [1]} : vector<16xi32> to vector<1xi32>
    %squeeze3A_228 = vector.extract %slice3A_227[0] : i32 from vector<1xi32>
    %dma_start3A_229 = arith.constant 15 : i32
    %dma_start3A_230 = arith.constant 0 : i32
    %dma_start3A_231 = tpu.memref_slice %arg6[%dma_start3A_229, %dma_start3A_230] : memref<512x64xf32, #tpu.memory_space<vmem>> -> memref<1x64xf32, #tpu.memory_space<vmem>>
    %dma_start3A_232 = tpu.memref_squeeze %dma_start3A_231 : memref<1x64xf32, #tpu.memory_space<vmem>> -> memref<64xf32, #tpu.memory_space<vmem>>
    %dma_start3A_233 = arith.constant 0 : i32
    %dma_start3A_234 = tpu.memref_slice %arg3[%squeeze3A_228, %dma_start3A_233] : memref<1000001x64xf32, #tpu.memory_space<hbm>> -> memref<1x64xf32, #tpu.memory_space<hbm>>
    %dma_start3A_235 = tpu.memref_squeeze %dma_start3A_234 : memref<1x64xf32, #tpu.memory_space<hbm>> -> memref<64xf32, #tpu.memory_space<hbm>>
    %dma_start3A_236 = arith.constant 0 : i32
    %dma_start3A_237 = tpu.memref_slice %arg6[%dma_start3A_229, %dma_start3A_236] : memref<512x64xf32, #tpu.memory_space<vmem>> -> memref<1x64xf32, #tpu.memory_space<vmem>>
    %dma_start3A_238 = tpu.memref_squeeze %dma_start3A_237 : memref<1x64xf32, #tpu.memory_space<vmem>> -> memref<64xf32, #tpu.memory_space<vmem>>
    %dma_start3A_239 = arith.constant 0 : i32
    %dma_start3A_240 = tpu.memref_slice %arg3[%squeeze3A_228, %dma_start3A_239] : memref<1000001x64xf32, #tpu.memory_space<hbm>> -> memref<1x64xf32, #tpu.memory_space<hbm>>
    %dma_start3A_241 = tpu.memref_squeeze %dma_start3A_240 : memref<1x64xf32, #tpu.memory_space<hbm>> -> memref<64xf32, #tpu.memory_space<hbm>>
    tpu.enqueue_dma source(%dma_start3A_241 : memref<64xf32, #tpu.memory_space<hbm>>) target(%dma_start3A_238 : memref<64xf32, #tpu.memory_space<vmem>>) target_semaphore(%arg7 : memref<!tpu.dma_semaphore, #tpu.memory_space<semaphore_mem>>)
    %scan3A = arith.constant 0 : i32
    %scan3A_242 = arith.constant 31 : i32
    %scan3A_243 = arith.addi %scan3A, %scan3A_242 : i32
    %scan3A_244 = arith.constant 1 : i32
    scf.for %scan3A_257 = %scan3A to %scan3A_243 step %scan3A_244  : i32 {
      %add3A_258 = arith.constant 1 : i32
      %add3A_259 = arith.addi %scan3A_257, %add3A_258 : i32
      %mul3A_260 = arith.constant 16 : i32
      %mul3A_261 = arith.muli %add3A_259, %mul3A_260 : i32
      %get3A_262 = arith.index_cast %mul3A_261 : i32 to index
      %get3A_263 = tpu.vector_load %arg5[%get3A_262] {strides = array<i32>} : memref<512xi32, #tpu.memory_space<vmem>>, vector<16xi32>,
      %get3A_264 = vector.shape_cast %get3A_263 : vector<16xi32> to vector<16xi32>
      %slice3A_265 = vector.extract_strided_slice %get3A_264 {offsets = [0], sizes = [1], strides = [1]} : vector<16xi32> to vector<1xi32>
      %squeeze3A_266 = vector.extract %slice3A_265[0] : i32 from vector<1xi32>
      %mul3A_267 = arith.constant 16 : i32
      %mul3A_268 = arith.muli %add3A_259, %mul3A_267 : i32
      %add3A_269 = arith.constant 0 : i32
      %add3A_270 = arith.addi %mul3A_268, %add3A_269 : i32
      %dma_start3A_271 = arith.constant 0 : i32
      %dma_start3A_272 = tpu.memref_slice %arg6[%add3A_270, %dma_start3A_271] : memref<512x64xf32, #tpu.memory_space<vmem>> -> memref<1x64xf32, #tpu.memory_space<vmem>>
      %dma_start3A_273 = tpu.memref_squeeze %dma_start3A_272 : memref<1x64xf32, #tpu.memory_space<vmem>> -> memref<64xf32, #tpu.memory_space<vmem>>
      %dma_start3A_274 = arith.constant 0 : i32
      %dma_start3A_275 = tpu.memref_slice %arg3[%squeeze3A_266, %dma_start3A_274] : memref<1000001x64xf32, #tpu.memory_space<hbm>> -> memref<1x64xf32, #tpu.memory_space<hbm>>
      %dma_start3A_276 = tpu.memref_squeeze %dma_start3A_275 : memref<1x64xf32, #tpu.memory_space<hbm>> -> memref<64xf32, #tpu.memory_space<hbm>>
      %dma_start3A_277 = arith.constant 0 : i32
      %dma_start3A_278 = tpu.memref_slice %arg6[%add3A_270, %dma_start3A_277] : memref<512x64xf32, #tpu.memory_space<vmem>> -> memref<1x64xf32, #tpu.memory_space<vmem>>
      %dma_start3A_279 = tpu.memref_squeeze %dma_start3A_278 : memref<1x64xf32, #tpu.memory_space<vmem>> -> memref<64xf32, #tpu.memory_space<vmem>>
      %dma_start3A_280 = arith.constant 0 : i32
      %dma_start3A_281 = tpu.memref_slice %arg3[%squeeze3A_266, %dma_start3A_280] : memref<1000001x64xf32, #tpu.memory_space<hbm>> -> memref<1x64xf32, #tpu.memory_space<hbm>>
      %dma_start3A_282 = tpu.memref_squeeze %dma_start3A_281 : memref<1x64xf32, #tpu.memory_space<hbm>> -> memref<64xf32, #tpu.memory_space<hbm>>
      tpu.enqueue_dma source(%dma_start3A_282 : memref<64xf32, #tpu.memory_space<hbm>>) target(%dma_start3A_279 : memref<64xf32, #tpu.memory_space<vmem>>) target_semaphore(%arg7 : memref<!tpu.dma_semaphore, #tpu.memory_space<semaphore_mem>>)
      %slice3A_283 = vector.extract_strided_slice %get3A_264 {offsets = [1], sizes = [1], strides = [1]} : vector<16xi32> to vector<1xi32>
      %squeeze3A_284 = vector.extract %slice3A_283[0] : i32 from vector<1xi32>
      %mul3A_285 = arith.constant 16 : i32
      %mul3A_286 = arith.muli %add3A_259, %mul3A_285 : i32
      %add3A_287 = arith.constant 1 : i32
      %add3A_288 = arith.addi %mul3A_286, %add3A_287 : i32
      %dma_start3A_289 = arith.constant 0 : i32
      %dma_start3A_290 = tpu.memref_slice %arg6[%add3A_288, %dma_start3A_289] : memref<512x64xf32, #tpu.memory_space<vmem>> -> memref<1x64xf32, #tpu.memory_space<vmem>>
      %dma_start3A_291 = tpu.memref_squeeze %dma_start3A_290 : memref<1x64xf32, #tpu.memory_space<vmem>> -> memref<64xf32, #tpu.memory_space<vmem>>
      %dma_start3A_292 = arith.constant 0 : i32
      %dma_start3A_293 = tpu.memref_slice %arg3[%squeeze3A_284, %dma_start3A_292] : memref<1000001x64xf32, #tpu.memory_space<hbm>> -> memref<1x64xf32, #tpu.memory_space<hbm>>
      %dma_start3A_294 = tpu.memref_squeeze %dma_start3A_293 : memref<1x64xf32, #tpu.memory_space<hbm>> -> memref<64xf32, #tpu.memory_space<hbm>>
      %dma_start3A_295 = arith.constant 0 : i32
      %dma_start3A_296 = tpu.memref_slice %arg6[%add3A_288, %dma_start3A_295] : memref<512x64xf32, #tpu.memory_space<vmem>> -> memref<1x64xf32, #tpu.memory_space<vmem>>
      %dma_start3A_297 = tpu.memref_squeeze %dma_start3A_296 : memref<1x64xf32, #tpu.memory_space<vmem>> -> memref<64xf32, #tpu.memory_space<vmem>>
      %dma_start3A_298 = arith.constant 0 : i32
      %dma_start3A_299 = tpu.memref_slice %arg3[%squeeze3A_284, %dma_start3A_298] : memref<1000001x64xf32, #tpu.memory_space<hbm>> -> memref<1x64xf32, #tpu.memory_space<hbm>>
      %dma_start3A_300 = tpu.memref_squeeze %dma_start3A_299 : memref<1x64xf32, #tpu.memory_space<hbm>> -> memref<64xf32, #tpu.memory_space<hbm>>
      tpu.enqueue_dma source(%dma_start3A_300 : memref<64xf32, #tpu.memory_space<hbm>>) target(%dma_start3A_297 : memref<64xf32, #tpu.memory_space<vmem>>) target_semaphore(%arg7 : memref<!tpu.dma_semaphore, #tpu.memory_space<semaphore_mem>>)
      %slice3A_301 = vector.extract_strided_slice %get3A_264 {offsets = [2], sizes = [1], strides = [1]} : vector<16xi32> to vector<1xi32>
      %squeeze3A_302 = vector.extract %slice3A_301[0] : i32 from vector<1xi32>
      %mul3A_303 = arith.constant 16 : i32
      %mul3A_304 = arith.muli %add3A_259, %mul3A_303 : i32
      %add3A_305 = arith.constant 2 : i32
      %add3A_306 = arith.addi %mul3A_304, %add3A_305 : i32
      %dma_start3A_307 = arith.constant 0 : i32
      %dma_start3A_308 = tpu.memref_slice %arg6[%add3A_306, %dma_start3A_307] : memref<512x64xf32, #tpu.memory_space<vmem>> -> memref<1x64xf32, #tpu.memory_space<vmem>>
      %dma_start3A_309 = tpu.memref_squeeze %dma_start3A_308 : memref<1x64xf32, #tpu.memory_space<vmem>> -> memref<64xf32, #tpu.memory_space<vmem>>
      %dma_start3A_310 = arith.constant 0 : i32
      %dma_start3A_311 = tpu.memref_slice %arg3[%squeeze3A_302, %dma_start3A_310] : memref<1000001x64xf32, #tpu.memory_space<hbm>> -> memref<1x64xf32, #tpu.memory_space<hbm>>
      %dma_start3A_312 = tpu.memref_squeeze %dma_start3A_311 : memref<1x64xf32, #tpu.memory_space<hbm>> -> memref<64xf32, #tpu.memory_space<hbm>>
      %dma_start3A_313 = arith.constant 0 : i32
      %dma_start3A_314 = tpu.memref_slice %arg6[%add3A_306, %dma_start3A_313] : memref<512x64xf32, #tpu.memory_space<vmem>> -> memref<1x64xf32, #tpu.memory_space<vmem>>
      %dma_start3A_315 = tpu.memref_squeeze %dma_start3A_314 : memref<1x64xf32, #tpu.memory_space<vmem>> -> memref<64xf32, #tpu.memory_space<vmem>>
      %dma_start3A_316 = arith.constant 0 : i32
      %dma_start3A_317 = tpu.memref_slice %arg3[%squeeze3A_302, %dma_start3A_316] : memref<1000001x64xf32, #tpu.memory_space<hbm>> -> memref<1x64xf32, #tpu.memory_space<hbm>>
      %dma_start3A_318 = tpu.memref_squeeze %dma_start3A_317 : memref<1x64xf32, #tpu.memory_space<hbm>> -> memref<64xf32, #tpu.memory_space<hbm>>
      tpu.enqueue_dma source(%dma_start3A_318 : memref<64xf32, #tpu.memory_space<hbm>>) target(%dma_start3A_315 : memref<64xf32, #tpu.memory_space<vmem>>) target_semaphore(%arg7 : memref<!tpu.dma_semaphore, #tpu.memory_space<semaphore_mem>>)
      %slice3A_319 = vector.extract_strided_slice %get3A_264 {offsets = [3], sizes = [1], strides = [1]} : vector<16xi32> to vector<1xi32>
      %squeeze3A_320 = vector.extract %slice3A_319[0] : i32 from vector<1xi32>
      %mul3A_321 = arith.constant 16 : i32
      %mul3A_322 = arith.muli %add3A_259, %mul3A_321 : i32
      %add3A_323 = arith.constant 3 : i32
      %add3A_324 = arith.addi %mul3A_322, %add3A_323 : i32
      %dma_start3A_325 = arith.constant 0 : i32
      %dma_start3A_326 = tpu.memref_slice %arg6[%add3A_324, %dma_start3A_325] : memref<512x64xf32, #tpu.memory_space<vmem>> -> memref<1x64xf32, #tpu.memory_space<vmem>>
      %dma_start3A_327 = tpu.memref_squeeze %dma_start3A_326 : memref<1x64xf32, #tpu.memory_space<vmem>> -> memref<64xf32, #tpu.memory_space<vmem>>
      %dma_start3A_328 = arith.constant 0 : i32
      %dma_start3A_329 = tpu.memref_slice %arg3[%squeeze3A_320, %dma_start3A_328] : memref<1000001x64xf32, #tpu.memory_space<hbm>> -> memref<1x64xf32, #tpu.memory_space<hbm>>
      %dma_start3A_330 = tpu.memref_squeeze %dma_start3A_329 : memref<1x64xf32, #tpu.memory_space<hbm>> -> memref<64xf32, #tpu.memory_space<hbm>>
      %dma_start3A_331 = arith.constant 0 : i32
      %dma_start3A_332 = tpu.memref_slice %arg6[%add3A_324, %dma_start3A_331] : memref<512x64xf32, #tpu.memory_space<vmem>> -> memref<1x64xf32, #tpu.memory_space<vmem>>
      %dma_start3A_333 = tpu.memref_squeeze %dma_start3A_332 : memref<1x64xf32, #tpu.memory_space<vmem>> -> memref<64xf32, #tpu.memory_space<vmem>>
      %dma_start3A_334 = arith.constant 0 : i32
      %dma_start3A_335 = tpu.memref_slice %arg3[%squeeze3A_320, %dma_start3A_334] : memref<1000001x64xf32, #tpu.memory_space<hbm>> -> memref<1x64xf32, #tpu.memory_space<hbm>>
      %dma_start3A_336 = tpu.memref_squeeze %dma_start3A_335 : memref<1x64xf32, #tpu.memory_space<hbm>> -> memref<64xf32, #tpu.memory_space<hbm>>
      tpu.enqueue_dma source(%dma_start3A_336 : memref<64xf32, #tpu.memory_space<hbm>>) target(%dma_start3A_333 : memref<64xf32, #tpu.memory_space<vmem>>) target_semaphore(%arg7 : memref<!tpu.dma_semaphore, #tpu.memory_space<semaphore_mem>>)
      %slice3A_337 = vector.extract_strided_slice %get3A_264 {offsets = [4], sizes = [1], strides = [1]} : vector<16xi32> to vector<1xi32>
      %squeeze3A_338 = vector.extract %slice3A_337[0] : i32 from vector<1xi32>
      %mul3A_339 = arith.constant 16 : i32
      %mul3A_340 = arith.muli %add3A_259, %mul3A_339 : i32
      %add3A_341 = arith.constant 4 : i32
      %add3A_342 = arith.addi %mul3A_340, %add3A_341 : i32
      %dma_start3A_343 = arith.constant 0 : i32
      %dma_start3A_344 = tpu.memref_slice %arg6[%add3A_342, %dma_start3A_343] : memref<512x64xf32, #tpu.memory_space<vmem>> -> memref<1x64xf32, #tpu.memory_space<vmem>>
      %dma_start3A_345 = tpu.memref_squeeze %dma_start3A_344 : memref<1x64xf32, #tpu.memory_space<vmem>> -> memref<64xf32, #tpu.memory_space<vmem>>
      %dma_start3A_346 = arith.constant 0 : i32
      %dma_start3A_347 = tpu.memref_slice %arg3[%squeeze3A_338, %dma_start3A_346] : memref<1000001x64xf32, #tpu.memory_space<hbm>> -> memref<1x64xf32, #tpu.memory_space<hbm>>
      %dma_start3A_348 = tpu.memref_squeeze %dma_start3A_347 : memref<1x64xf32, #tpu.memory_space<hbm>> -> memref<64xf32, #tpu.memory_space<hbm>>
      %dma_start3A_349 = arith.constant 0 : i32
      %dma_start3A_350 = tpu.memref_slice %arg6[%add3A_342, %dma_start3A_349] : memref<512x64xf32, #tpu.memory_space<vmem>> -> memref<1x64xf32, #tpu.memory_space<vmem>>
      %dma_start3A_351 = tpu.memref_squeeze %dma_start3A_350 : memref<1x64xf32, #tpu.memory_space<vmem>> -> memref<64xf32, #tpu.memory_space<vmem>>
      %dma_start3A_352 = arith.constant 0 : i32
      %dma_start3A_353 = tpu.memref_slice %arg3[%squeeze3A_338, %dma_start3A_352] : memref<1000001x64xf32, #tpu.memory_space<hbm>> -> memref<1x64xf32, #tpu.memory_space<hbm>>
      %dma_start3A_354 = tpu.memref_squeeze %dma_start3A_353 : memref<1x64xf32, #tpu.memory_space<hbm>> -> memref<64xf32, #tpu.memory_space<hbm>>
      tpu.enqueue_dma source(%dma_start3A_354 : memref<64xf32, #tpu.memory_space<hbm>>) target(%dma_start3A_351 : memref<64xf32, #tpu.memory_space<vmem>>) target_semaphore(%arg7 : memref<!tpu.dma_semaphore, #tpu.memory_space<semaphore_mem>>)
      %slice3A_355 = vector.extract_strided_slice %get3A_264 {offsets = [5], sizes = [1], strides = [1]} : vector<16xi32> to vector<1xi32>
      %squeeze3A_356 = vector.extract %slice3A_355[0] : i32 from vector<1xi32>
      %mul3A_357 = arith.constant 16 : i32
      %mul3A_358 = arith.muli %add3A_259, %mul3A_357 : i32
      %add3A_359 = arith.constant 5 : i32
      %add3A_360 = arith.addi %mul3A_358, %add3A_359 : i32
      %dma_start3A_361 = arith.constant 0 : i32
      %dma_start3A_362 = tpu.memref_slice %arg6[%add3A_360, %dma_start3A_361] : memref<512x64xf32, #tpu.memory_space<vmem>> -> memref<1x64xf32, #tpu.memory_space<vmem>>
      %dma_start3A_363 = tpu.memref_squeeze %dma_start3A_362 : memref<1x64xf32, #tpu.memory_space<vmem>> -> memref<64xf32, #tpu.memory_space<vmem>>
      %dma_start3A_364 = arith.constant 0 : i32
      %dma_start3A_365 = tpu.memref_slice %arg3[%squeeze3A_356, %dma_start3A_364] : memref<1000001x64xf32, #tpu.memory_space<hbm>> -> memref<1x64xf32, #tpu.memory_space<hbm>>
      %dma_start3A_366 = tpu.memref_squeeze %dma_start3A_365 : memref<1x64xf32, #tpu.memory_space<hbm>> -> memref<64xf32, #tpu.memory_space<hbm>>
      %dma_start3A_367 = arith.constant 0 : i32
      %dma_start3A_368 = tpu.memref_slice %arg6[%add3A_360, %dma_start3A_367] : memref<512x64xf32, #tpu.memory_space<vmem>> -> memref<1x64xf32, #tpu.memory_space<vmem>>
      %dma_start3A_369 = tpu.memref_squeeze %dma_start3A_368 : memref<1x64xf32, #tpu.memory_space<vmem>> -> memref<64xf32, #tpu.memory_space<vmem>>
      %dma_start3A_370 = arith.constant 0 : i32
      %dma_start3A_371 = tpu.memref_slice %arg3[%squeeze3A_356, %dma_start3A_370] : memref<1000001x64xf32, #tpu.memory_space<hbm>> -> memref<1x64xf32, #tpu.memory_space<hbm>>
      %dma_start3A_372 = tpu.memref_squeeze %dma_start3A_371 : memref<1x64xf32, #tpu.memory_space<hbm>> -> memref<64xf32, #tpu.memory_space<hbm>>
      tpu.enqueue_dma source(%dma_start3A_372 : memref<64xf32, #tpu.memory_space<hbm>>) target(%dma_start3A_369 : memref<64xf32, #tpu.memory_space<vmem>>) target_semaphore(%arg7 : memref<!tpu.dma_semaphore, #tpu.memory_space<semaphore_mem>>)
      %slice3A_373 = vector.extract_strided_slice %get3A_264 {offsets = [6], sizes = [1], strides = [1]} : vector<16xi32> to vector<1xi32>
      %squeeze3A_374 = vector.extract %slice3A_373[0] : i32 from vector<1xi32>
      %mul3A_375 = arith.constant 16 : i32
      %mul3A_376 = arith.muli %add3A_259, %mul3A_375 : i32
      %add3A_377 = arith.constant 6 : i32
      %add3A_378 = arith.addi %mul3A_376, %add3A_377 : i32
      %dma_start3A_379 = arith.constant 0 : i32
      %dma_start3A_380 = tpu.memref_slice %arg6[%add3A_378, %dma_start3A_379] : memref<512x64xf32, #tpu.memory_space<vmem>> -> memref<1x64xf32, #tpu.memory_space<vmem>>
      %dma_start3A_381 = tpu.memref_squeeze %dma_start3A_380 : memref<1x64xf32, #tpu.memory_space<vmem>> -> memref<64xf32, #tpu.memory_space<vmem>>
      %dma_start3A_382 = arith.constant 0 : i32
      %dma_start3A_383 = tpu.memref_slice %arg3[%squeeze3A_374, %dma_start3A_382] : memref<1000001x64xf32, #tpu.memory_space<hbm>> -> memref<1x64xf32, #tpu.memory_space<hbm>>
      %dma_start3A_384 = tpu.memref_squeeze %dma_start3A_383 : memref<1x64xf32, #tpu.memory_space<hbm>> -> memref<64xf32, #tpu.memory_space<hbm>>
      %dma_start3A_385 = arith.constant 0 : i32
      %dma_start3A_386 = tpu.memref_slice %arg6[%add3A_378, %dma_start3A_385] : memref<512x64xf32, #tpu.memory_space<vmem>> -> memref<1x64xf32, #tpu.memory_space<vmem>>
      %dma_start3A_387 = tpu.memref_squeeze %dma_start3A_386 : memref<1x64xf32, #tpu.memory_space<vmem>> -> memref<64xf32, #tpu.memory_space<vmem>>
      %dma_start3A_388 = arith.constant 0 : i32
      %dma_start3A_389 = tpu.memref_slice %arg3[%squeeze3A_374, %dma_start3A_388] : memref<1000001x64xf32, #tpu.memory_space<hbm>> -> memref<1x64xf32, #tpu.memory_space<hbm>>
      %dma_start3A_390 = tpu.memref_squeeze %dma_start3A_389 : memref<1x64xf32, #tpu.memory_space<hbm>> -> memref<64xf32, #tpu.memory_space<hbm>>
      tpu.enqueue_dma source(%dma_start3A_390 : memref<64xf32, #tpu.memory_space<hbm>>) target(%dma_start3A_387 : memref<64xf32, #tpu.memory_space<vmem>>) target_semaphore(%arg7 : memref<!tpu.dma_semaphore, #tpu.memory_space<semaphore_mem>>)
      %slice3A_391 = vector.extract_strided_slice %get3A_264 {offsets = [7], sizes = [1], strides = [1]} : vector<16xi32> to vector<1xi32>
      %squeeze3A_392 = vector.extract %slice3A_391[0] : i32 from vector<1xi32>
      %mul3A_393 = arith.constant 16 : i32
      %mul3A_394 = arith.muli %add3A_259, %mul3A_393 : i32
      %add3A_395 = arith.constant 7 : i32
      %add3A_396 = arith.addi %mul3A_394, %add3A_395 : i32
      %dma_start3A_397 = arith.constant 0 : i32
      %dma_start3A_398 = tpu.memref_slice %arg6[%add3A_396, %dma_start3A_397] : memref<512x64xf32, #tpu.memory_space<vmem>> -> memref<1x64xf32, #tpu.memory_space<vmem>>
      %dma_start3A_399 = tpu.memref_squeeze %dma_start3A_398 : memref<1x64xf32, #tpu.memory_space<vmem>> -> memref<64xf32, #tpu.memory_space<vmem>>
      %dma_start3A_400 = arith.constant 0 : i32
      %dma_start3A_401 = tpu.memref_slice %arg3[%squeeze3A_392, %dma_start3A_400] : memref<1000001x64xf32, #tpu.memory_space<hbm>> -> memref<1x64xf32, #tpu.memory_space<hbm>>
      %dma_start3A_402 = tpu.memref_squeeze %dma_start3A_401 : memref<1x64xf32, #tpu.memory_space<hbm>> -> memref<64xf32, #tpu.memory_space<hbm>>
      %dma_start3A_403 = arith.constant 0 : i32
      %dma_start3A_404 = tpu.memref_slice %arg6[%add3A_396, %dma_start3A_403] : memref<512x64xf32, #tpu.memory_space<vmem>> -> memref<1x64xf32, #tpu.memory_space<vmem>>
      %dma_start3A_405 = tpu.memref_squeeze %dma_start3A_404 : memref<1x64xf32, #tpu.memory_space<vmem>> -> memref<64xf32, #tpu.memory_space<vmem>>
      %dma_start3A_406 = arith.constant 0 : i32
      %dma_start3A_407 = tpu.memref_slice %arg3[%squeeze3A_392, %dma_start3A_406] : memref<1000001x64xf32, #tpu.memory_space<hbm>> -> memref<1x64xf32, #tpu.memory_space<hbm>>
      %dma_start3A_408 = tpu.memref_squeeze %dma_start3A_407 : memref<1x64xf32, #tpu.memory_space<hbm>> -> memref<64xf32, #tpu.memory_space<hbm>>
      tpu.enqueue_dma source(%dma_start3A_408 : memref<64xf32, #tpu.memory_space<hbm>>) target(%dma_start3A_405 : memref<64xf32, #tpu.memory_space<vmem>>) target_semaphore(%arg7 : memref<!tpu.dma_semaphore, #tpu.memory_space<semaphore_mem>>)
      %slice3A_409 = vector.extract_strided_slice %get3A_264 {offsets = [8], sizes = [1], strides = [1]} : vector<16xi32> to vector<1xi32>
      %squeeze3A_410 = vector.extract %slice3A_409[0] : i32 from vector<1xi32>
      %mul3A_411 = arith.constant 16 : i32
      %mul3A_412 = arith.muli %add3A_259, %mul3A_411 : i32
      %add3A_413 = arith.constant 8 : i32
      %add3A_414 = arith.addi %mul3A_412, %add3A_413 : i32
      %dma_start3A_415 = arith.constant 0 : i32
      %dma_start3A_416 = tpu.memref_slice %arg6[%add3A_414, %dma_start3A_415] : memref<512x64xf32, #tpu.memory_space<vmem>> -> memref<1x64xf32, #tpu.memory_space<vmem>>
      %dma_start3A_417 = tpu.memref_squeeze %dma_start3A_416 : memref<1x64xf32, #tpu.memory_space<vmem>> -> memref<64xf32, #tpu.memory_space<vmem>>
      %dma_start3A_418 = arith.constant 0 : i32
      %dma_start3A_419 = tpu.memref_slice %arg3[%squeeze3A_410, %dma_start3A_418] : memref<1000001x64xf32, #tpu.memory_space<hbm>> -> memref<1x64xf32, #tpu.memory_space<hbm>>
      %dma_start3A_420 = tpu.memref_squeeze %dma_start3A_419 : memref<1x64xf32, #tpu.memory_space<hbm>> -> memref<64xf32, #tpu.memory_space<hbm>>
      %dma_start3A_421 = arith.constant 0 : i32
      %dma_start3A_422 = tpu.memref_slice %arg6[%add3A_414, %dma_start3A_421] : memref<512x64xf32, #tpu.memory_space<vmem>> -> memref<1x64xf32, #tpu.memory_space<vmem>>
      %dma_start3A_423 = tpu.memref_squeeze %dma_start3A_422 : memref<1x64xf32, #tpu.memory_space<vmem>> -> memref<64xf32, #tpu.memory_space<vmem>>
      %dma_start3A_424 = arith.constant 0 : i32
      %dma_start3A_425 = tpu.memref_slice %arg3[%squeeze3A_410, %dma_start3A_424] : memref<1000001x64xf32, #tpu.memory_space<hbm>> -> memref<1x64xf32, #tpu.memory_space<hbm>>
      %dma_start3A_426 = tpu.memref_squeeze %dma_start3A_425 : memref<1x64xf32, #tpu.memory_space<hbm>> -> memref<64xf32, #tpu.memory_space<hbm>>
      tpu.enqueue_dma source(%dma_start3A_426 : memref<64xf32, #tpu.memory_space<hbm>>) target(%dma_start3A_423 : memref<64xf32, #tpu.memory_space<vmem>>) target_semaphore(%arg7 : memref<!tpu.dma_semaphore, #tpu.memory_space<semaphore_mem>>)
      %slice3A_427 = vector.extract_strided_slice %get3A_264 {offsets = [9], sizes = [1], strides = [1]} : vector<16xi32> to vector<1xi32>
      %squeeze3A_428 = vector.extract %slice3A_427[0] : i32 from vector<1xi32>
      %mul3A_429 = arith.constant 16 : i32
      %mul3A_430 = arith.muli %add3A_259, %mul3A_429 : i32
      %add3A_431 = arith.constant 9 : i32
      %add3A_432 = arith.addi %mul3A_430, %add3A_431 : i32
      %dma_start3A_433 = arith.constant 0 : i32
      %dma_start3A_434 = tpu.memref_slice %arg6[%add3A_432, %dma_start3A_433] : memref<512x64xf32, #tpu.memory_space<vmem>> -> memref<1x64xf32, #tpu.memory_space<vmem>>
      %dma_start3A_435 = tpu.memref_squeeze %dma_start3A_434 : memref<1x64xf32, #tpu.memory_space<vmem>> -> memref<64xf32, #tpu.memory_space<vmem>>
      %dma_start3A_436 = arith.constant 0 : i32
      %dma_start3A_437 = tpu.memref_slice %arg3[%squeeze3A_428, %dma_start3A_436] : memref<1000001x64xf32, #tpu.memory_space<hbm>> -> memref<1x64xf32, #tpu.memory_space<hbm>>
      %dma_start3A_438 = tpu.memref_squeeze %dma_start3A_437 : memref<1x64xf32, #tpu.memory_space<hbm>> -> memref<64xf32, #tpu.memory_space<hbm>>
      %dma_start3A_439 = arith.constant 0 : i32
      %dma_start3A_440 = tpu.memref_slice %arg6[%add3A_432, %dma_start3A_439] : memref<512x64xf32, #tpu.memory_space<vmem>> -> memref<1x64xf32, #tpu.memory_space<vmem>>
      %dma_start3A_441 = tpu.memref_squeeze %dma_start3A_440 : memref<1x64xf32, #tpu.memory_space<vmem>> -> memref<64xf32, #tpu.memory_space<vmem>>
      %dma_start3A_442 = arith.constant 0 : i32
      %dma_start3A_443 = tpu.memref_slice %arg3[%squeeze3A_428, %dma_start3A_442] : memref<1000001x64xf32, #tpu.memory_space<hbm>> -> memref<1x64xf32, #tpu.memory_space<hbm>>
      %dma_start3A_444 = tpu.memref_squeeze %dma_start3A_443 : memref<1x64xf32, #tpu.memory_space<hbm>> -> memref<64xf32, #tpu.memory_space<hbm>>
      tpu.enqueue_dma source(%dma_start3A_444 : memref<64xf32, #tpu.memory_space<hbm>>) target(%dma_start3A_441 : memref<64xf32, #tpu.memory_space<vmem>>) target_semaphore(%arg7 : memref<!tpu.dma_semaphore, #tpu.memory_space<semaphore_mem>>)
      %slice3A_445 = vector.extract_strided_slice %get3A_264 {offsets = [10], sizes = [1], strides = [1]} : vector<16xi32> to vector<1xi32>
      %squeeze3A_446 = vector.extract %slice3A_445[0] : i32 from vector<1xi32>
      %mul3A_447 = arith.constant 16 : i32
      %mul3A_448 = arith.muli %add3A_259, %mul3A_447 : i32
      %add3A_449 = arith.constant 10 : i32
      %add3A_450 = arith.addi %mul3A_448, %add3A_449 : i32
      %dma_start3A_451 = arith.constant 0 : i32
      %dma_start3A_452 = tpu.memref_slice %arg6[%add3A_450, %dma_start3A_451] : memref<512x64xf32, #tpu.memory_space<vmem>> -> memref<1x64xf32, #tpu.memory_space<vmem>>
      %dma_start3A_453 = tpu.memref_squeeze %dma_start3A_452 : memref<1x64xf32, #tpu.memory_space<vmem>> -> memref<64xf32, #tpu.memory_space<vmem>>
      %dma_start3A_454 = arith.constant 0 : i32
      %dma_start3A_455 = tpu.memref_slice %arg3[%squeeze3A_446, %dma_start3A_454] : memref<1000001x64xf32, #tpu.memory_space<hbm>> -> memref<1x64xf32, #tpu.memory_space<hbm>>
      %dma_start3A_456 = tpu.memref_squeeze %dma_start3A_455 : memref<1x64xf32, #tpu.memory_space<hbm>> -> memref<64xf32, #tpu.memory_space<hbm>>
      %dma_start3A_457 = arith.constant 0 : i32
      %dma_start3A_458 = tpu.memref_slice %arg6[%add3A_450, %dma_start3A_457] : memref<512x64xf32, #tpu.memory_space<vmem>> -> memref<1x64xf32, #tpu.memory_space<vmem>>
      %dma_start3A_459 = tpu.memref_squeeze %dma_start3A_458 : memref<1x64xf32, #tpu.memory_space<vmem>> -> memref<64xf32, #tpu.memory_space<vmem>>
      %dma_start3A_460 = arith.constant 0 : i32
      %dma_start3A_461 = tpu.memref_slice %arg3[%squeeze3A_446, %dma_start3A_460] : memref<1000001x64xf32, #tpu.memory_space<hbm>> -> memref<1x64xf32, #tpu.memory_space<hbm>>
      %dma_start3A_462 = tpu.memref_squeeze %dma_start3A_461 : memref<1x64xf32, #tpu.memory_space<hbm>> -> memref<64xf32, #tpu.memory_space<hbm>>
      tpu.enqueue_dma source(%dma_start3A_462 : memref<64xf32, #tpu.memory_space<hbm>>) target(%dma_start3A_459 : memref<64xf32, #tpu.memory_space<vmem>>) target_semaphore(%arg7 : memref<!tpu.dma_semaphore, #tpu.memory_space<semaphore_mem>>)
      %slice3A_463 = vector.extract_strided_slice %get3A_264 {offsets = [11], sizes = [1], strides = [1]} : vector<16xi32> to vector<1xi32>
      %squeeze3A_464 = vector.extract %slice3A_463[0] : i32 from vector<1xi32>
      %mul3A_465 = arith.constant 16 : i32
      %mul3A_466 = arith.muli %add3A_259, %mul3A_465 : i32
      %add3A_467 = arith.constant 11 : i32
      %add3A_468 = arith.addi %mul3A_466, %add3A_467 : i32
      %dma_start3A_469 = arith.constant 0 : i32
      %dma_start3A_470 = tpu.memref_slice %arg6[%add3A_468, %dma_start3A_469] : memref<512x64xf32, #tpu.memory_space<vmem>> -> memref<1x64xf32, #tpu.memory_space<vmem>>
      %dma_start3A_471 = tpu.memref_squeeze %dma_start3A_470 : memref<1x64xf32, #tpu.memory_space<vmem>> -> memref<64xf32, #tpu.memory_space<vmem>>
      %dma_start3A_472 = arith.constant 0 : i32
      %dma_start3A_473 = tpu.memref_slice %arg3[%squeeze3A_464, %dma_start3A_472] : memref<1000001x64xf32, #tpu.memory_space<hbm>> -> memref<1x64xf32, #tpu.memory_space<hbm>>
      %dma_start3A_474 = tpu.memref_squeeze %dma_start3A_473 : memref<1x64xf32, #tpu.memory_space<hbm>> -> memref<64xf32, #tpu.memory_space<hbm>>
      %dma_start3A_475 = arith.constant 0 : i32
      %dma_start3A_476 = tpu.memref_slice %arg6[%add3A_468, %dma_start3A_475] : memref<512x64xf32, #tpu.memory_space<vmem>> -> memref<1x64xf32, #tpu.memory_space<vmem>>
      %dma_start3A_477 = tpu.memref_squeeze %dma_start3A_476 : memref<1x64xf32, #tpu.memory_space<vmem>> -> memref<64xf32, #tpu.memory_space<vmem>>
      %dma_start3A_478 = arith.constant 0 : i32
      %dma_start3A_479 = tpu.memref_slice %arg3[%squeeze3A_464, %dma_start3A_478] : memref<1000001x64xf32, #tpu.memory_space<hbm>> -> memref<1x64xf32, #tpu.memory_space<hbm>>
      %dma_start3A_480 = tpu.memref_squeeze %dma_start3A_479 : memref<1x64xf32, #tpu.memory_space<hbm>> -> memref<64xf32, #tpu.memory_space<hbm>>
      tpu.enqueue_dma source(%dma_start3A_480 : memref<64xf32, #tpu.memory_space<hbm>>) target(%dma_start3A_477 : memref<64xf32, #tpu.memory_space<vmem>>) target_semaphore(%arg7 : memref<!tpu.dma_semaphore, #tpu.memory_space<semaphore_mem>>)
      %slice3A_481 = vector.extract_strided_slice %get3A_264 {offsets = [12], sizes = [1], strides = [1]} : vector<16xi32> to vector<1xi32>
      %squeeze3A_482 = vector.extract %slice3A_481[0] : i32 from vector<1xi32>
      %mul3A_483 = arith.constant 16 : i32
      %mul3A_484 = arith.muli %add3A_259, %mul3A_483 : i32
      %add3A_485 = arith.constant 12 : i32
      %add3A_486 = arith.addi %mul3A_484, %add3A_485 : i32
      %dma_start3A_487 = arith.constant 0 : i32
      %dma_start3A_488 = tpu.memref_slice %arg6[%add3A_486, %dma_start3A_487] : memref<512x64xf32, #tpu.memory_space<vmem>> -> memref<1x64xf32, #tpu.memory_space<vmem>>
      %dma_start3A_489 = tpu.memref_squeeze %dma_start3A_488 : memref<1x64xf32, #tpu.memory_space<vmem>> -> memref<64xf32, #tpu.memory_space<vmem>>
      %dma_start3A_490 = arith.constant 0 : i32
      %dma_start3A_491 = tpu.memref_slice %arg3[%squeeze3A_482, %dma_start3A_490] : memref<1000001x64xf32, #tpu.memory_space<hbm>> -> memref<1x64xf32, #tpu.memory_space<hbm>>
      %dma_start3A_492 = tpu.memref_squeeze %dma_start3A_491 : memref<1x64xf32, #tpu.memory_space<hbm>> -> memref<64xf32, #tpu.memory_space<hbm>>
      %dma_start3A_493 = arith.constant 0 : i32
      %dma_start3A_494 = tpu.memref_slice %arg6[%add3A_486, %dma_start3A_493] : memref<512x64xf32, #tpu.memory_space<vmem>> -> memref<1x64xf32, #tpu.memory_space<vmem>>
      %dma_start3A_495 = tpu.memref_squeeze %dma_start3A_494 : memref<1x64xf32, #tpu.memory_space<vmem>> -> memref<64xf32, #tpu.memory_space<vmem>>
      %dma_start3A_496 = arith.constant 0 : i32
      %dma_start3A_497 = tpu.memref_slice %arg3[%squeeze3A_482, %dma_start3A_496] : memref<1000001x64xf32, #tpu.memory_space<hbm>> -> memref<1x64xf32, #tpu.memory_space<hbm>>
      %dma_start3A_498 = tpu.memref_squeeze %dma_start3A_497 : memref<1x64xf32, #tpu.memory_space<hbm>> -> memref<64xf32, #tpu.memory_space<hbm>>
      tpu.enqueue_dma source(%dma_start3A_498 : memref<64xf32, #tpu.memory_space<hbm>>) target(%dma_start3A_495 : memref<64xf32, #tpu.memory_space<vmem>>) target_semaphore(%arg7 : memref<!tpu.dma_semaphore, #tpu.memory_space<semaphore_mem>>)
      %slice3A_499 = vector.extract_strided_slice %get3A_264 {offsets = [13], sizes = [1], strides = [1]} : vector<16xi32> to vector<1xi32>
      %squeeze3A_500 = vector.extract %slice3A_499[0] : i32 from vector<1xi32>
      %mul3A_501 = arith.constant 16 : i32
      %mul3A_502 = arith.muli %add3A_259, %mul3A_501 : i32
      %add3A_503 = arith.constant 13 : i32
      %add3A_504 = arith.addi %mul3A_502, %add3A_503 : i32
      %dma_start3A_505 = arith.constant 0 : i32
      %dma_start3A_506 = tpu.memref_slice %arg6[%add3A_504, %dma_start3A_505] : memref<512x64xf32, #tpu.memory_space<vmem>> -> memref<1x64xf32, #tpu.memory_space<vmem>>
      %dma_start3A_507 = tpu.memref_squeeze %dma_start3A_506 : memref<1x64xf32, #tpu.memory_space<vmem>> -> memref<64xf32, #tpu.memory_space<vmem>>
      %dma_start3A_508 = arith.constant 0 : i32
      %dma_start3A_509 = tpu.memref_slice %arg3[%squeeze3A_500, %dma_start3A_508] : memref<1000001x64xf32, #tpu.memory_space<hbm>> -> memref<1x64xf32, #tpu.memory_space<hbm>>
      %dma_start3A_510 = tpu.memref_squeeze %dma_start3A_509 : memref<1x64xf32, #tpu.memory_space<hbm>> -> memref<64xf32, #tpu.memory_space<hbm>>
      %dma_start3A_511 = arith.constant 0 : i32
      %dma_start3A_512 = tpu.memref_slice %arg6[%add3A_504, %dma_start3A_511] : memref<512x64xf32, #tpu.memory_space<vmem>> -> memref<1x64xf32, #tpu.memory_space<vmem>>
      %dma_start3A_513 = tpu.memref_squeeze %dma_start3A_512 : memref<1x64xf32, #tpu.memory_space<vmem>> -> memref<64xf32, #tpu.memory_space<vmem>>
      %dma_start3A_514 = arith.constant 0 : i32
      %dma_start3A_515 = tpu.memref_slice %arg3[%squeeze3A_500, %dma_start3A_514] : memref<1000001x64xf32, #tpu.memory_space<hbm>> -> memref<1x64xf32, #tpu.memory_space<hbm>>
      %dma_start3A_516 = tpu.memref_squeeze %dma_start3A_515 : memref<1x64xf32, #tpu.memory_space<hbm>> -> memref<64xf32, #tpu.memory_space<hbm>>
      tpu.enqueue_dma source(%dma_start3A_516 : memref<64xf32, #tpu.memory_space<hbm>>) target(%dma_start3A_513 : memref<64xf32, #tpu.memory_space<vmem>>) target_semaphore(%arg7 : memref<!tpu.dma_semaphore, #tpu.memory_space<semaphore_mem>>)
      %slice3A_517 = vector.extract_strided_slice %get3A_264 {offsets = [14], sizes = [1], strides = [1]} : vector<16xi32> to vector<1xi32>
      %squeeze3A_518 = vector.extract %slice3A_517[0] : i32 from vector<1xi32>
      %mul3A_519 = arith.constant 16 : i32
      %mul3A_520 = arith.muli %add3A_259, %mul3A_519 : i32
      %add3A_521 = arith.constant 14 : i32
      %add3A_522 = arith.addi %mul3A_520, %add3A_521 : i32
      %dma_start3A_523 = arith.constant 0 : i32
      %dma_start3A_524 = tpu.memref_slice %arg6[%add3A_522, %dma_start3A_523] : memref<512x64xf32, #tpu.memory_space<vmem>> -> memref<1x64xf32, #tpu.memory_space<vmem>>
      %dma_start3A_525 = tpu.memref_squeeze %dma_start3A_524 : memref<1x64xf32, #tpu.memory_space<vmem>> -> memref<64xf32, #tpu.memory_space<vmem>>
      %dma_start3A_526 = arith.constant 0 : i32
      %dma_start3A_527 = tpu.memref_slice %arg3[%squeeze3A_518, %dma_start3A_526] : memref<1000001x64xf32, #tpu.memory_space<hbm>> -> memref<1x64xf32, #tpu.memory_space<hbm>>
      %dma_start3A_528 = tpu.memref_squeeze %dma_start3A_527 : memref<1x64xf32, #tpu.memory_space<hbm>> -> memref<64xf32, #tpu.memory_space<hbm>>
      %dma_start3A_529 = arith.constant 0 : i32
      %dma_start3A_530 = tpu.memref_slice %arg6[%add3A_522, %dma_start3A_529] : memref<512x64xf32, #tpu.memory_space<vmem>> -> memref<1x64xf32, #tpu.memory_space<vmem>>
      %dma_start3A_531 = tpu.memref_squeeze %dma_start3A_530 : memref<1x64xf32, #tpu.memory_space<vmem>> -> memref<64xf32, #tpu.memory_space<vmem>>
      %dma_start3A_532 = arith.constant 0 : i32
      %dma_start3A_533 = tpu.memref_slice %arg3[%squeeze3A_518, %dma_start3A_532] : memref<1000001x64xf32, #tpu.memory_space<hbm>> -> memref<1x64xf32, #tpu.memory_space<hbm>>
      %dma_start3A_534 = tpu.memref_squeeze %dma_start3A_533 : memref<1x64xf32, #tpu.memory_space<hbm>> -> memref<64xf32, #tpu.memory_space<hbm>>
      tpu.enqueue_dma source(%dma_start3A_534 : memref<64xf32, #tpu.memory_space<hbm>>) target(%dma_start3A_531 : memref<64xf32, #tpu.memory_space<vmem>>) target_semaphore(%arg7 : memref<!tpu.dma_semaphore, #tpu.memory_space<semaphore_mem>>)
      %slice3A_535 = vector.extract_strided_slice %get3A_264 {offsets = [15], sizes = [1], strides = [1]} : vector<16xi32> to vector<1xi32>
      %squeeze3A_536 = vector.extract %slice3A_535[0] : i32 from vector<1xi32>
      %mul3A_537 = arith.constant 16 : i32
      %mul3A_538 = arith.muli %add3A_259, %mul3A_537 : i32
      %add3A_539 = arith.constant 15 : i32
      %add3A_540 = arith.addi %mul3A_538, %add3A_539 : i32
      %dma_start3A_541 = arith.constant 0 : i32
      %dma_start3A_542 = tpu.memref_slice %arg6[%add3A_540, %dma_start3A_541] : memref<512x64xf32, #tpu.memory_space<vmem>> -> memref<1x64xf32, #tpu.memory_space<vmem>>
      %dma_start3A_543 = tpu.memref_squeeze %dma_start3A_542 : memref<1x64xf32, #tpu.memory_space<vmem>> -> memref<64xf32, #tpu.memory_space<vmem>>
      %dma_start3A_544 = arith.constant 0 : i32
      %dma_start3A_545 = tpu.memref_slice %arg3[%squeeze3A_536, %dma_start3A_544] : memref<1000001x64xf32, #tpu.memory_space<hbm>> -> memref<1x64xf32, #tpu.memory_space<hbm>>
      %dma_start3A_546 = tpu.memref_squeeze %dma_start3A_545 : memref<1x64xf32, #tpu.memory_space<hbm>> -> memref<64xf32, #tpu.memory_space<hbm>>
      %dma_start3A_547 = arith.constant 0 : i32
      %dma_start3A_548 = tpu.memref_slice %arg6[%add3A_540, %dma_start3A_547] : memref<512x64xf32, #tpu.memory_space<vmem>> -> memref<1x64xf32, #tpu.memory_space<vmem>>
      %dma_start3A_549 = tpu.memref_squeeze %dma_start3A_548 : memref<1x64xf32, #tpu.memory_space<vmem>> -> memref<64xf32, #tpu.memory_space<vmem>>
      %dma_start3A_550 = arith.constant 0 : i32
      %dma_start3A_551 = tpu.memref_slice %arg3[%squeeze3A_536, %dma_start3A_550] : memref<1000001x64xf32, #tpu.memory_space<hbm>> -> memref<1x64xf32, #tpu.memory_space<hbm>>
      %dma_start3A_552 = tpu.memref_squeeze %dma_start3A_551 : memref<1x64xf32, #tpu.memory_space<hbm>> -> memref<64xf32, #tpu.memory_space<hbm>>
      tpu.enqueue_dma source(%dma_start3A_552 : memref<64xf32, #tpu.memory_space<hbm>>) target(%dma_start3A_549 : memref<64xf32, #tpu.memory_space<vmem>>) target_semaphore(%arg7 : memref<!tpu.dma_semaphore, #tpu.memory_space<semaphore_mem>>)
      %dma_wait3A_553 = arith.constant 0 : i32
      %dma_wait3A_554 = arith.constant 0 : i32
      %dma_wait3A_555 = tpu.memref_slice %arg6[%dma_wait3A_553, %dma_wait3A_554] : memref<512x64xf32, #tpu.memory_space<vmem>> -> memref<16x64xf32, #tpu.memory_space<vmem>>
      %dma_wait3A_556 = arith.constant 0 : i32
      %dma_wait3A_557 = arith.constant 0 : i32
      %dma_wait3A_558 = tpu.memref_slice %arg3[%dma_wait3A_556, %dma_wait3A_557] : memref<1000001x64xf32, #tpu.memory_space<hbm>> -> memref<16x64xf32, #tpu.memory_space<hbm>>
      %dma_wait3A_559 = arith.constant 0 : i32
      %dma_wait3A_560 = arith.constant 0 : i32
      %dma_wait3A_561 = tpu.memref_slice %arg6[%dma_wait3A_559, %dma_wait3A_560] : memref<512x64xf32, #tpu.memory_space<vmem>> -> memref<16x64xf32, #tpu.memory_space<vmem>>
      %dma_wait3A_562 = arith.constant 0 : i32
      %dma_wait3A_563 = arith.constant 0 : i32
      %dma_wait3A_564 = tpu.memref_slice %arg3[%dma_wait3A_562, %dma_wait3A_563] : memref<1000001x64xf32, #tpu.memory_space<hbm>> -> memref<16x64xf32, #tpu.memory_space<hbm>>
      tpu.wait_dma2 semaphore(%arg7 : memref<!tpu.dma_semaphore, #tpu.memory_space<semaphore_mem>>) src(%dma_wait3A_564 : memref<16x64xf32, #tpu.memory_space<hbm>>) dst(%dma_wait3A_561 : memref<16x64xf32, #tpu.memory_space<vmem>>)
    }
    %scan3A_245 = arith.constant 31 : i32
    %dma_wait3A = arith.constant 0 : i32
    %dma_wait3A_246 = arith.constant 0 : i32
    %dma_wait3A_247 = tpu.memref_slice %arg6[%dma_wait3A, %dma_wait3A_246] : memref<512x64xf32, #tpu.memory_space<vmem>> -> memref<16x64xf32, #tpu.memory_space<vmem>>
    %dma_wait3A_248 = arith.constant 0 : i32
    %dma_wait3A_249 = arith.constant 0 : i32
    %dma_wait3A_250 = tpu.memref_slice %arg3[%dma_wait3A_248, %dma_wait3A_249] : memref<1000001x64xf32, #tpu.memory_space<hbm>> -> memref<16x64xf32, #tpu.memory_space<hbm>>
    %dma_wait3A_251 = arith.constant 0 : i32
    %dma_wait3A_252 = arith.constant 0 : i32
    %dma_wait3A_253 = tpu.memref_slice %arg6[%dma_wait3A_251, %dma_wait3A_252] : memref<512x64xf32, #tpu.memory_space<vmem>> -> memref<16x64xf32, #tpu.memory_space<vmem>>
    %dma_wait3A_254 = arith.constant 0 : i32
    %dma_wait3A_255 = arith.constant 0 : i32
    %dma_wait3A_256 = tpu.memref_slice %arg3[%dma_wait3A_254, %dma_wait3A_255] : memref<1000001x64xf32, #tpu.memory_space<hbm>> -> memref<16x64xf32, #tpu.memory_space<hbm>>
    tpu.wait_dma2 semaphore(%arg7 : memref<!tpu.dma_semaphore, #tpu.memory_space<semaphore_mem>>) src(%dma_wait3A_256 : memref<16x64xf32, #tpu.memory_space<hbm>>) dst(%dma_wait3A_253 : memref<16x64xf32, #tpu.memory_space<vmem>>)
    "tpu.region"() ({
      %run_scoped3A = tpu.sem_alloc : memref<!tpu.dma_semaphore, #tpu.memory_space<semaphore_mem>>
      %dma_start3A_257 = arith.constant 0 : i32
      %dma_start3A_258 = tpu.memref_slice %arg4[%mul3A_2, %dma_start3A_257] : memref<16384x64xf32, #tpu.memory_space<hbm>> -> memref<512x64xf32, #tpu.memory_space<hbm>>
      %dma_start3A_259 = arith.constant 0 : i32
      %dma_start3A_260 = tpu.memref_slice %arg4[%mul3A_2, %dma_start3A_259] : memref<16384x64xf32, #tpu.memory_space<hbm>> -> memref<512x64xf32, #tpu.memory_space<hbm>>
      tpu.enqueue_dma source(%arg6 : memref<512x64xf32, #tpu.memory_space<vmem>>) target(%dma_start3A_260 : memref<512x64xf32, #tpu.memory_space<hbm>>) target_semaphore(%run_scoped3A : memref<!tpu.dma_semaphore, #tpu.memory_space<semaphore_mem>>)
      %dma_wait3A_261 = arith.constant 0 : i32
      %dma_wait3A_262 = tpu.memref_slice %arg4[%mul3A_2, %dma_wait3A_261] : memref<16384x64xf32, #tpu.memory_space<hbm>> -> memref<512x64xf32, #tpu.memory_space<hbm>>
      %dma_wait3A_263 = arith.constant 0 : i32
      %dma_wait3A_264 = tpu.memref_slice %arg4[%mul3A_2, %dma_wait3A_263] : memref<16384x64xf32, #tpu.memory_space<hbm>> -> memref<512x64xf32, #tpu.memory_space<hbm>>
      tpu.wait_dma2 semaphore(%run_scoped3A : memref<!tpu.dma_semaphore, #tpu.memory_space<semaphore_mem>>) src(%arg6 : memref<512x64xf32, #tpu.memory_space<vmem>>) dst(%dma_wait3A_264 : memref<512x64xf32, #tpu.memory_space<hbm>>)
      tpu.yield
    }) : () -> ()
    return
  }
}

</mosaic_0001>

<sc_bundles>
// kernel: kernel.3.cloned.1.call-start
scs
__scs_entry_jumppad:
0x0: {  	(pc) =	sbr.rel $0x88, $3  }
0x1: {  	(tag) =	ssettag $0x0;
	lr =	simm.s32 $0x1  }
0x2: {  	[smem:$0x3F9E] =	sst lr;
	_ =	strace $0xD0000000  }
0x3: {  	_ = 	snop  }
0x4: {  	_ = 	snop  }
0x5: {  	_ = 	snop  }
0x6: {  	_ = 	snop  }
0x7: {  	_ = 	snop  }
__scs_overlays_trampoline_lowered:
0x8: {  	[smem:$0x3FAD] =	sst s0  }
0x9: {  	[smem:$0x3FAE] =	sst s1  }
0xa: {  	[smem:$0x3FAF] =	sst s2  }
0xb: {  	[smem:$0x3FB0] =	sst s3  }
0xc: {  	[smem:$0x3FB1] =	sst s4  }
0xd: {  	[smem:$0x3FB2] =	sst s5  }
0xe: {  	[smem:$0x3FB3] =	sst s6  }
0xf: {  	[smem:$0x3FB4] =	sst s7  }
0x10: {  	[smem:$0x3FB5] =	sst s8  }
0x11: {  	[smem:$0x3FB6] =	sst s9;
	s0 =	simm.s32 @!p0 $0x0  }
0x12: {  	s1 =	sld [smem:$0x3F9C];
	s0 =	simm.s32 @p0 $0x1  }
0x13: {  	[smem:$0x3FB7] =	sst s0;
	s0 =	simm.s32 @!p1 $0x0  }
0x14: {  	s2 =	sld [smem:$0x3F9B];
	s0 =	simm.s32 @p1 $0x1  }
0x15: {  	[smem:$0x3FB8] =	sst s0;
	s0 =	simm.s32 @!p2 $0x0  }
0x16: {  	s3 =	sld [smem:$0x3FDB];
	s0 =	simm.s32 @p2 $0x1  }
0x17: {  	s4 =	simm.s32 $0x1BF5;
	[smem:$0x3FBA] =	sst s0  }
0x18: {  	s0 =	sld [smem:$0x3F9D];
	_ =	swait.ge [sflag:s4], $0x0  }
0x19: {  	s7 =	sld [smem:$0x3F9E]  }
0x1a: {  	s8 =	sadd.s32 $0xFFFFE003, lr  }
0x1b: {  	s9 =	sadd.s32 $0xFFFFFEF7, lr;
	s5 =	simm.s32 $0xFFFFFFFF;
	p2 =	slt.u32 s8, $0xFFFFF086  }
0x1c: {  	p1 =	slt.u32 s9, $0xF7A;
	s5 =	simm.s32 @!p2 $0x0  }
0x1d: {  	s5 =	simm.s32 @p1 $0x1;
	p0 =	seq.s32 s7, s2  }
0x1e: {  	s7 =	smul.u32 @!p0 $0xF7A, s2;
	p2 =	seq.s32 @!p0 s5, $0x0  }
0x1f: {  	s9 =	smul.u32 $0xF7A, s1;
	s8 =	simm.s32 @!p0 $0x1BF5;
	p2 =	por !p2, p0  }
0x20: {  	[sflag:s8] =	ssyncset.s32 @!p0 $0xFFFFF086;
	s6 =	sadd.s32 @!p0 s3, s7;
	s7 =	simm.s32 @!p0 $0x108  }
0x21: {  	s3 =	sadd.s32 s3, s9;
	s6 =	sadd.s32 @!p0 $0x88, s6;
	s7 =	simm.s32 @p2 $0x1082  }
0x22: {  	[simem:s7], [sflag:s8] =	dma.local @!p0 [hbm:s6], $0xF7A  }
0x23: {  	s9 =	sor.u32 $0xD0000000, s2;
	s6 =	simm.s32 $0x108;
	_ =	swait.ge @!p0 [sflag:s8], $0x0  }
0x24: {  	s3 =	sadd.s32 $0x88, s3;
	s6 =	simm.s32 @!p1 $0x1082;
	[sflag:s4] =	ssyncset.s32 $0xFFFFF086  }
0x25: {  	[simem:s6], [sflag:s4] =	dma.local [hbm:s3], $0xF7A  }
0x26: {  	[smem:$0x3F9E] =	sst s1;
	(tag) =	ssettag s2;
	_ =	strace s9  }
0x27: {  	s1 =	sld [smem:$0x3FAE]  }
0x28: {  	s2 =	sld [smem:$0x3FAF]  }
0x29: {  	s4 =	sld [smem:$0x3FB1]  }
0x2a: {  	p0 =	seq.s32 s5, $0x0;
	s5 =	sld [smem:$0x3FB2]  }
0x2b: {  	s6 =	sld [smem:$0x3FB3]  }
0x2c: {  	s7 =	sld [smem:$0x3FB4]  }
0x2d: {  	s3 =	simm.s32 $0x108;
	s8 =	sld [smem:$0x3FB5]  }
0x2e: {  	s3 =	simm.s32 @!p0 $0x1082;
	s9 =	sld [smem:$0x3FB6]  }
0x2f: {  	lr =	sadd.s32 s0, s3;
	s0 =	sld [smem:$0x3FAD]  }
0x30: {  	s3 =	sld [smem:$0x3FB0]  }
0x31: {  	[smem:$0x3FB9] =	sst s10  }
0x32: {  	s10 =	sld [smem:$0x3FB7];
	_ =	sdelay $0x3  }
0x33: {  	p0 =	seq.s32 s10, $0x1;
	s10 =	sld [smem:$0x3FB9];
	_ =	sdelay $0x3  }
0x34: {  	[smem:$0x3FB9] =	sst s10  }
0x35: {  	s10 =	sld [smem:$0x3FB8];
	_ =	sdelay $0x3  }
0x36: {  	p1 =	seq.s32 s10, $0x1;
	s10 =	sld [smem:$0x3FB9];
	_ =	sdelay $0x3  }
0x37: {  	[smem:$0x3FB9] =	sst s10  }
0x38: {  	s10 =	sld [smem:$0x3FBA]  }
0x39: {  	_ = 	snop;
	(pc) =	sbr.ind lr, $3  }
0x3a: {  	_ = 	snop  }
0x3b: {  	_ = 	snop  }
0x3c: {  	p2 =	seq.s32 s10, $0x1;
	s10 =	sld [smem:$0x3FB9]  }
0x3d: {  	_ =	shalt  }
0x3e: {  	_ =	shalt  }
0x3f: {  	_ =	shalt  }
0x40: {  	_ =	shalt  }
0x41: {  	_ =	shalt  }
0x42: {  	_ =	shalt  }
0x43: {  	_ =	shalt  }
0x44: {  	_ =	shalt  }
0x45: {  	_ =	shalt  }
0x46: {  	_ =	shalt  }
0x47: {  	_ =	shalt  }
0x48: {  	_ =	shalt  }
0x49: {  	_ =	shalt  }
0x4a: {  	_ =	shalt  }
0x4b: {  	_ =	shalt  }
0x4c: {  	_ =	shalt  }
0x4d: {  	_ =	shalt  }
0x4e: {  	_ =	shalt  }
0x4f: {  	_ =	shalt  }
0x50: {  	_ =	shalt  }
0x51: {  	_ =	shalt  }
0x52: {  	_ =	shalt  }
0x53: {  	_ =	shalt  }
0x54: {  	_ =	shalt  }
0x55: {  	_ =	shalt  }
0x56: {  	_ =	shalt  }
0x57: {  	_ =	shalt  }
0x58: {  	_ =	shalt  }
0x59: {  	_ =	shalt  }
0x5a: {  	_ =	shalt  }
0x5b: {  	_ =	shalt  }
0x5c: {  	_ =	shalt  }
0x5d: {  	_ =	shalt  }
0x5e: {  	_ =	shalt  }
0x5f: {  	_ =	shalt  }
0x60: {  	_ =	shalt  }
0x61: {  	_ =	shalt  }
0x62: {  	_ =	shalt  }
0x63: {  	_ =	shalt  }
0x64: {  	_ =	shalt  }
0x65: {  	_ =	shalt  }
0x66: {  	_ =	shalt  }
0x67: {  	_ =	shalt  }
0x68: {  	_ =	shalt  }
0x69: {  	_ =	shalt  }
0x6a: {  	_ =	shalt  }
0x6b: {  	_ =	shalt  }
0x6c: {  	_ =	shalt  }
0x6d: {  	_ =	shalt  }
0x6e: {  	_ =	shalt  }
0x6f: {  	_ =	shalt  }
0x70: {  	_ =	shalt  }
0x71: {  	_ =	shalt  }
0x72: {  	_ =	shalt  }
0x73: {  	_ =	shalt  }
0x74: {  	_ =	shalt  }
0x75: {  	_ =	shalt  }
0x76: {  	_ =	shalt  }
0x77: {  	_ =	shalt  }
0x78: {  	_ =	shalt  }
0x79: {  	_ =	shalt  }
0x7a: {  	_ =	shalt  }
0x7b: {  	_ =	shalt  }
0x7c: {  	_ =	shalt  }
0x7d: {  	_ =	shalt  }
0x7e: {  	_ =	shalt  }
0x7f: {  	_ =	shalt  }
0x80: {  	_ =	shalt  }
0x81: {  	_ =	shalt  }
0x82: {  	_ =	shalt  }
0x83: {  	_ =	shalt  }
0x84: {  	_ =	shalt  }
0x85: {  	_ =	shalt  }
0x86: {  	_ =	shalt  }
0x87: {  	_ =	shalt  }
.Lfunc_end0:
.L_simem_size_0:
called_computation_lowered:
.L_overlay_start_0:
0x88: {  	s2 =	sld [smem:$0x3FD9]  }
0x89: {  	s3 =	sld [smem:$0x3FFE];
	_ =	sdelay $0x1  }
0x8a: {  	s1 =	srdreg.scid  }
0x8b: {  	s0 =	sand.u32 $0x1, s1  }
0x8c: {  	s17 =	sshll.u32 s0, $0xA;
	s2 =	sadd.s32 s3, s2  }
0x8d: {  	s2 =	sadd.s32 s2, s17  }
0x8e: {  	[smem:$0x3FC5] =	sst s2  }
0x8f: {  	_ = 	snop  }
0x90: {  	s2 =	sld [smem:$0x3FD0];
	(tm) =	ssettm $0x1  }
0x91: {  	s18 =	sld [smem:$0x3FFB];
	_ =	sdelay $0x3  }
0x92: {  	_ =	strace s18  }
0x93: {  	s3 =	sld [smem:$0x3FFC];
	_ =	sdelay $0x3  }
0x94: {  	_ =	strace s3  }
0x95: {  	s3 =	sld [smem:$0x3FFD];
	_ =	sdelay $0x3  }
0x96: {  	_ =	strace s3  }
0x97: {  	_ =	strace $0x8FFFFFFF  }
0x98: {  	s19 =	sld [smem:$0x3FDB];
	_ =	sdelay $0x1  }
0x99: {  	s4 =	simm.s32 $_scs_section_size  }
0x9a: {  	s5 =	simm.s32 $_size__tile_overlayer_lowered;
	s6 =	simm.s32 $_tile_overlayer_lowered  }
0x9b: {  	s22 =	simm.s32 $0x1BFF;
	s21 =	sshll.u32 s6, $0x1;
	s3 =	sadd.s32 s4, s19  }
0x9c: {  	s7 =	simm.s32 $0x0;
	s20 =	sshll.u32 s5, $0x1;
	s5 =	sadd.s32 s21, s3  }
0x9d: {  	[timem:s7], [sflag:s22] =	dma.local [hbm:s5], s20  }
0x9e: {  	_ =	swait.ge [sflag:s22], s20  }
0x9f: {  	s4 =	ssub.s32 $0x0, s20;
	[sflag:s22] =	ssyncset.done $0x0  }
0xa0: {  	[sflag:s22] =	ssyncadd.s32 s4;
	_ =	sdelay $0x1  }
0xa1: {  	s23 =	simm.s32 $0x1B8B  }
0xa2: {  	_ =	swait.ge [sflag:s23], $0x1  }
0xa3: {  	[sflag:s23] =	ssyncset.done $0x0  }
0xa4: {  	s25 =	simm.s32 $0x1B8E;
	s24 =	sld [smem:$0x3FFE];
	[sflag:s23] =	ssyncadd.s32 $0xFFFFFFFF  }
0xa5: {  	s26 =	simm.s32 $execute0_lowered;
	[smem:$0x3FD2] =	sst s25  }
0xa6: {  	s5 =	sshll.u32 s26, $0x1;
	_ =	strace $0x80000046;
	[dreg:$0x1] =	wrdreg $0xFFFFFFFF  }
0xa7: {  	s28 =	simm.s32 $_size_execute0_lowered;
	s3 =	sadd.s32 s3, s5;
	[dreg:$0x0] =	wrdreg $0x0  }
0xa8: {  	s5 =	sshll.u32 s28, $0x1;
	[dreg:$0x2] =	wrdreg s3  }
0xa9: {  	[dreg:$0x3] =	wrdreg s5  }
0xaa: {  	[dreg:$0x4] =	wrdreg $0xC0  }
0xab: {  	_ =	task [dreg:s7], $0x5FFFF  }
0xac: {  	[dreg:$0x1] =	wrdreg $0xFFFFFFFF  }
0xad: {  	[dreg:$0x0] =	wrdreg $0x60  }
0xae: {  	[dreg:$0x2] =	wrdreg s2  }
0xaf: {  	[dreg:$0x3] =	wrdreg s24  }
0xb0: {  	[dreg:$0x4] =	wrdreg $0x9  }
0xb1: {  	_ =	task.clear_ibuf [dreg:s7], $0x5FFFF;
	_ =	strace $0x90000046  }
0xb2: {  	s29 =	simm.s32 $0x9;
	_ =	strace $0x80000048  }
0xb3: {  	_ =	swait.ge [sflag:s29], $0x1  }
0xb4: {  	[sflag:s29] =	ssyncadd.s32 $0xFFFFFFFF  }
0xb5: {  	_ =	strace $0x90000048  }
0xb6: {  	_ =	sfence  }
0xb7: {  	s30 =	sld [smem:$0x0];
	_ =	sdelay $0x2  }
0xb8: {  	s31 =	sshll.u32 s1, $0xD;
	s1 =	sshrl.u32 s1, $0x2  }
0xb9: {  	s3 =	sand.u32 $0x4000, s31;
	s1 =	sadd.s32 s1, s30  }
0xba: {  	s0 =	sor.u32 s3, s0;
	s1 =	sshll.u32 s1, $0x11  }
0xbb: {  	s0 =	sor.u32 s1, s0  }
0xbc: {  	s0 =	sadd.s32 $0x8F2B, s0  }
0xbd: {  	[sflag:s0] =	ssyncadd.remote.s32 $0x1  }
0xbe: {  	_ =	sfence.sel $0xFFFF  }
0xbf: {  	[dreg:$0x0] =	wrdreg $0xFFFFFFFF;
	(pc) =	sbr.abs _section_cstart, $3  }
0xc0: {  	[dreg:$0x1] =	wrdreg $0xFFFFFFFF  }
0xc1: {  	_ =	task.clear_ibuf [dreg:s7], $0x2FFFF;
	_ =	strace $0x9FFFFFFF  }
0xc2: {  	(tm) =	ssettm $0x7FFFFFFF  }
0xc3: {  	_ =	shalt  }
tec
execute0_lowered:
.L_overlay_start_1:
0x0: {  	(tag) =	ssettag $0x1  }
0x1: {  	s0 =	rddreg [dreg:$0x0]  }
0x2: {  	s1 =	rddreg [dreg:$0x1];
	s3 =	srdreg.scid  }
0x3: {  	s7 =	stileid.u32;
	s2 =	simm.s32 $0x0;
	s8 =	simm.s32 $0x400  }
0x4: {  	s9 =	simm.s32 $0x2;
	s10 =	simm.s32 $0x200;
	s24 =	simm.s32 $0x980  }
0x5: {  	s25 =	simm.s32 $0x1;
	s26 =	simm.s32 $0x0;
	s4 =	sand.u32 $0x1, s3  }
0x6: {  	s28 =	sshll.u32 s7, $0x1;
	[smem:$0x7FF] =	sst s2;
	s3 =	sadd.s32 $0x400, s1  }
0x7: {  	s29 =	sshll.u32 s7, $0x7;
	s5 =	sor.u32 s4, s28;
	_ =	strace $0x80000047  }
0x8: {  	s4 =	ssub.s32 $0x2, s4;
	s6 =	sshll.u32 s5, $0xD;
	s5 =	sshll.u32 s5, $0x4  }
0x9: {  	s30 =	sshrl.u32 s4, $0x1;
	s1 =	sadd.s32 s6, s1;
	s6 =	sand.u32 $0x600, s29  }
0xa: {  	s5 =	sand.u32 $0x70, s5;
	s31 =	ssub.s32 s4, s30;
	s0 =	sadd.s32 s0, s6  }
0xb: {  	s6 =	smax.u32 s31, $0x1;
	s4 =	sadd.s32 s5, s0;
	s5 =	sadd.s32 $0xF42A00, s1  }
.LBB2_1:
0xc: {  	s0 =	simm.s32 $0x80  }
0xd: {  	[tilespmem:s2], [sflag:$0x2] =	stream.strided.gather [hbm4b:s4+s0], $0x200, s8, s0, $0x38;
	[tilespmem:$0x10200] =	vst v63  }
0xe: {  	_ =	swait.ge [sflag:s9], $0x200  }
0xf: {  	[sflag:s9] =	ssyncset.done $0x0  }
0x10: {  	[sflag:s9] =	ssyncadd.s32 $0xFFFFFE00  }
0x11: {  	v0 =	vld [tilespmem:$0x0];
	_ =	sdelay $0x4  }
0x12: {  	v0 =	vshll.u32 v0, $0x4  }
0x13: {  	(v2sf) =	vpush v0, $0x0;
	_ =	sdelay $0x6  }
0x14: {  	(v2sf) =	vpush v0, $0x1;
	_ =	sdelay $0x2  }
0x15: {  	(v2sf) =	vpush v0, $0x2;
	_ =	sdelay $0x2  }
0x16: {  	(v2sf) =	vpush v0, $0x3;
	_ =	sdelay $0x1  }
0x17: {  	s12 =	spop (v2sf);
	(v2sf) =	vpush v0, $0x4;
	_ =	sdelay $0x1  }
0x18: {  	(v2sf) =	vpush v0, $0x5;
	_ =	sdelay $0x1  }
0x19: {  	(v2sf) =	vpush v0, $0x6;
	_ =	sdelay $0x1  }
0x1a: {  	s0 =	sand.u32 $0x1FFFFFF0, s12  }
0x1b: {  	s13 =	spop (v2sf);
	s0 =	sadd.s32 s3, s0;
	(v2sf) =	vpush v0, $0x7  }
0x1c: {  	[tilespmem:s10], [sflag:$0x1] =	stream.linear.gather [hbm4b:s0+s2], $0x80, $0x38;
	[tilespmem:$0x10200] =	vst v63  }
0x1d: {  	s0 =	sand.u32 $0x1FFFFFF0, s13  }
0x1e: {  	s1 =	simm.s32 $0x280;
	s14 =	spop (v2sf);
	s0 =	sadd.s32 s3, s0  }
0x1f: {  	[tilespmem:s1], [sflag:$0x1] =	stream.linear.gather [hbm4b:s0+s2], $0x80, $0x38;
	[tilespmem:$0x10200] =	vst v63  }
0x20: {  	s0 =	sand.u32 $0x1FFFFFF0, s14  }
0x21: {  	s15 =	simm.s32 $0x300;
	s16 =	spop (v2sf);
	s0 =	sadd.s32 s3, s0  }
0x22: {  	[tilespmem:s15], [sflag:$0x1] =	stream.linear.gather [hbm4b:s0+s2], $0x80, $0x38;
	[tilespmem:$0x10200] =	vst v63  }
0x23: {  	s18 =	spop (v2sf);
	(v2sf) =	vpush v0, $0x8  }
0x24: {  	s0 =	sand.u32 $0x1FFFFFF0, s16  }
0x25: {  	s17 =	simm.s32 $0x380;
	s0 =	sadd.s32 s3, s0;
	s19 =	spop (v2sf);
	(v2sf) =	vpush v0, $0x9  }
0x26: {  	[tilespmem:s17], [sflag:$0x1] =	stream.linear.gather [hbm4b:s0+s2], $0x80, $0x38;
	[tilespmem:$0x10200] =	vst v63  }
0x27: {  	s0 =	sand.u32 $0x1FFFFFF0, s18;
	s21 =	spop (v2sf);
	(v2sf) =	vpush v0, $0xA  }
0x28: {  	s0 =	sadd.s32 s3, s0  }
0x29: {  	[tilespmem:s8], [sflag:$0x1] =	stream.linear.gather [hbm4b:s0+s2], $0x80, $0x38;
	[tilespmem:$0x10200] =	vst v63  }
0x2a: {  	s23 =	spop (v2sf);
	(v2sf) =	vpush v0, $0xB  }
0x2b: {  	s0 =	sand.u32 $0x1FFFFFF0, s19  }
0x2c: {  	s20 =	simm.s32 $0x480;
	s0 =	sadd.s32 s3, s0  }
0x2d: {  	[tilespmem:s20], [sflag:$0x1] =	stream.linear.gather [hbm4b:s0+s2], $0x80, $0x38;
	[tilespmem:$0x10200] =	vst v63  }
0x2e: {  	s0 =	sand.u32 $0x1FFFFFF0, s21  }
0x2f: {  	s22 =	simm.s32 $0x500;
	s0 =	sadd.s32 s3, s0  }
0x30: {  	[tilespmem:s22], [sflag:$0x1] =	stream.linear.gather [hbm4b:s0+s2], $0x80, $0x38;
	[tilespmem:$0x10200] =	vst v63  }
0x31: {  	s0 =	sand.u32 $0x1FFFFFF0, s23  }
0x32: {  	s31 =	simm.s32 $0x580;
	s0 =	sadd.s32 s3, s0;
	s7 =	spop (v2sf);
	(v2sf) =	vpush v0, $0xC  }
0x33: {  	[tilespmem:s31], [sflag:$0x1] =	stream.linear.gather [hbm4b:s0+s2], $0x80, $0x38;
	[tilespmem:$0x10200] =	vst v63  }
0x34: {  	s12 =	spop (v2sf);
	(v2sf) =	vpush v0, $0xD  }
0x35: {  	s0 =	sand.u32 $0x1FFFFFF0, s7  }
0x36: {  	s11 =	simm.s32 $0x600;
	s0 =	sadd.s32 s3, s0;
	s14 =	spop (v2sf)  }
0x37: {  	(v2sf) =	vpush v0, $0xE;
	[tilespmem:s11], [sflag:$0x1] =	stream.linear.gather [hbm4b:s0+s2], $0x80, $0x38;
	[tilespmem:$0x10200] =	vst v63  }
0x38: {  	s0 =	sand.u32 $0x1FFFFFF0, s12  }
0x39: {  	s13 =	simm.s32 $0x680;
	s16 =	spop (v2sf);
	s0 =	sadd.s32 s3, s0  }
0x3a: {  	(v2sf) =	vpush v0, $0xF;
	[tilespmem:s13], [sflag:$0x1] =	stream.linear.gather [hbm4b:s0+s2], $0x80, $0x38;
	[tilespmem:$0x10200] =	vst v63  }
0x3b: {  	s0 =	sand.u32 $0x1FFFFFF0, s14  }
0x3c: {  	s15 =	simm.s32 $0x700;
	s0 =	sadd.s32 s3, s0  }
0x3d: {  	[tilespmem:s15], [sflag:$0x1] =	stream.linear.gather [hbm4b:s0+s2], $0x80, $0x38;
	[tilespmem:$0x10200] =	vst v63  }
0x3e: {  	s0 =	sand.u32 $0x1FFFFFF0, s16  }
0x3f: {  	s17 =	simm.s32 $0x780;
	s0 =	sadd.s32 s3, s0  }
0x40: {  	[tilespmem:s17], [sflag:$0x1] =	stream.linear.gather [hbm4b:s0+s2], $0x80, $0x38;
	[tilespmem:$0x10200] =	vst v63  }
0x41: {  	s18 =	spop (v2sf)  }
0x42: {  	s0 =	sand.u32 $0x1FFFFFF0, s18  }
0x43: {  	s19 =	simm.s32 $0x800;
	s20 =	spop (v2sf);
	s0 =	sadd.s32 s3, s0  }
0x44: {  	[tilespmem:s19], [sflag:$0x1] =	stream.linear.gather [hbm4b:s0+s2], $0x80, $0x38;
	[tilespmem:$0x10200] =	vst v63  }
0x45: {  	s0 =	sand.u32 $0x1FFFFFF0, s20  }
0x46: {  	s21 =	simm.s32 $0x880;
	s22 =	spop (v2sf);
	s0 =	sadd.s32 s3, s0  }
0x47: {  	[tilespmem:s21], [sflag:$0x1] =	stream.linear.gather [hbm4b:s0+s2], $0x80, $0x38;
	[tilespmem:$0x10200] =	vst v63  }
0x48: {  	s0 =	sand.u32 $0x1FFFFFF0, s22  }
0x49: {  	s23 =	simm.s32 $0x900;
	s31 =	spop (v2sf);
	s0 =	sadd.s32 s3, s0  }
0x4a: {  	[tilespmem:s23], [sflag:$0x1] =	stream.linear.gather [hbm4b:s0+s2], $0x80, $0x38;
	[tilespmem:$0x10200] =	vst v63  }
0x4b: {  	s0 =	sand.u32 $0x1FFFFFF0, s31  }
0x4c: {  	s29 =	simm.s32 $0x10;
	s0 =	sadd.s32 s3, s0  }
0x4d: {  	[tilespmem:s24], [sflag:$0x1] =	stream.linear.gather [hbm4b:s0+s2], $0x80, $0x38;
	[tilespmem:$0x10200] =	vst v63  }
0x4e: {  	v0 =	vld [tilespmem:s29+$0x0];
	_ =	sdelay $0x4  }
0x4f: {  	v0 =	vshll.u32 v0, $0x4  }
0x50: {  	(v2sf) =	vpush v0, $0x0  }
0x51: {  	(v2sf) =	vpush v0, $0x1  }
0x52: {  	(v2sf) =	vpush v0, $0x2;
	_ =	sdelay $0x1  }
0x53: {  	(v2sf) =	vpush v0, $0x4;
	_ =	sdelay $0x1  }
0x54: {  	(v2sf) =	vpush v0, $0x3  }
0x55: {  	(v2sf) =	vpush v0, $0x5  }
0x56: {  	s30 =	simm.s32 $0x2000;
	s28 =	simm.s32 $0x0;
	(v2sf) =	vpush v0, $0x6  }
.LBB2_2:
0x57: {  	p0 =	sne.s32 s30, $0x3C000  }
0x58: {  	s16 =	sadd.s32 $0xA80, s28;
	s7 =	sadd.s32 $0xF80, s28;
	s31 =	smov.u32 s30  }
0x59: {  	s30 =	sadd.s32 $0x2000, s30;
	s13 =	sadd.s32 $0xD80, s28;
	s0 =	sadd.s32 $0x1000, s28;
	(v2sf) =	vpush v0, $0x7  }
0x5a: {  	s15 =	sadd.s32 $0xC80, s28;
	s12 =	sadd.s32 $0xE00, s28;
	s1 =	sadd.s32 $0x1080, s28  }
0x5b: {  	s17 =	sadd.s32 $0xA00, s28;
	s18 =	sadd.s32 $0xC00, s28;
	(v2sf) =	vpush v0, $0x8  }
0x5c: {  	s19 =	sadd.s32 $0xD00, s28  }
0x5d: {  	s20 =	sadd.s32 $0xB00, s28;
	s11 =	sadd.s32 $0xF00, s28;
	s14 =	spop (v2sf);
	(v2sf) =	vpush v0, $0x9  }
0x5e: {  	s21 =	sand.u32 $0x1FFFFFF0, s14;
	s14 =	sadd.s32 $0xE80, s28;
	s22 =	spop (v2sf)  }
0x5f: {  	s21 =	sadd.s32 s3, s21;
	s22 =	sand.u32 $0x1FFFFFF0, s22;
	s23 =	spop (v2sf);
	(v2sf) =	vpush v0, $0xA  }
0x60: {  	[tilespmem:s17], [sflag:$0x1] =	stream.linear.gather [hbm4b:s21+s2], $0x80, $0x38;
	[tilespmem:$0x10200] =	vst v63  }
0x61: {  	s17 =	sadd.s32 s3, s22;
	s21 =	sadd.s32 $0xB80, s28;
	s22 =	spop (v2sf);
	(v2sf) =	vpush v0, $0xB  }
0x62: {  	[tilespmem:s16], [sflag:$0x1] =	stream.linear.gather [hbm4b:s17+s2], $0x80, $0x38;
	[tilespmem:$0x10200] =	vst v63  }
0x63: {  	s16 =	sand.u32 $0x1FFFFFF0, s23;
	s17 =	sand.u32 $0x1FFFFFF0, s22;
	s22 =	spop (v2sf);
	(v2sf) =	vpush v0, $0xC  }
0x64: {  	s16 =	sadd.s32 s3, s16;
	s22 =	sand.u32 $0x1FFFFFF0, s22;
	s23 =	spop (v2sf)  }
0x65: {  	[tilespmem:s20], [sflag:$0x1] =	stream.linear.gather [hbm4b:s16+s2], $0x80, $0x38;
	(v2sf) =	vpush v0, $0xD;
	[tilespmem:$0x10200] =	vst v63  }
0x66: {  	s16 =	sadd.s32 s3, s22;
	s20 =	sand.u32 $0x1FFFFFF0, s23;
	s22 =	spop (v2sf)  }
0x67: {  	[tilespmem:s21], [sflag:$0x1] =	stream.linear.gather [hbm4b:s16+s2], $0x80, $0x38;
	(v2sf) =	vpush v0, $0xE;
	[tilespmem:$0x10200] =	vst v63  }
0x68: {  	s16 =	sadd.s32 s3, s17;
	s17 =	sand.u32 $0x1FFFFFF0, s22;
	s21 =	spop (v2sf)  }
0x69: {  	[tilespmem:s18], [sflag:$0x1] =	stream.linear.gather [hbm4b:s16+s2], $0x80, $0x38;
	(v2sf) =	vpush v0, $0xF;
	[tilespmem:$0x10200] =	vst v63  }
0x6a: {  	s16 =	sadd.s32 s3, s20;
	s18 =	sand.u32 $0x1FFFFFF0, s21;
	s20 =	spop (v2sf)  }
0x6b: {  	[tilespmem:s15], [sflag:$0x1] =	stream.linear.gather [hbm4b:s16+s2], $0x80, $0x38;
	[tilespmem:$0x10200] =	vst v63  }
0x6c: {  	s15 =	sadd.s32 s3, s17;
	s16 =	sand.u32 $0x1FFFFFF0, s20;
	s17 =	spop (v2sf)  }
0x6d: {  	[tilespmem:s19], [sflag:$0x1] =	stream.linear.gather [hbm4b:s15+s2], $0x80, $0x38;
	[tilespmem:$0x10200] =	vst v63  }
0x6e: {  	s15 =	sadd.s32 s3, s18;
	s17 =	sand.u32 $0x1FFFFFF0, s17;
	s18 =	spop (v2sf)  }
0x6f: {  	[tilespmem:s13], [sflag:$0x1] =	stream.linear.gather [hbm4b:s15+s2], $0x80, $0x38;
	[tilespmem:$0x10200] =	vst v63  }
0x70: {  	s13 =	sadd.s32 s3, s16;
	s15 =	sand.u32 $0x1FFFFFF0, s18;
	s16 =	spop (v2sf)  }
0x71: {  	[tilespmem:s12], [sflag:$0x1] =	stream.linear.gather [hbm4b:s13+s2], $0x80, $0x38;
	[tilespmem:$0x10200] =	vst v63  }
0x72: {  	s12 =	sadd.s32 s3, s17;
	s13 =	sand.u32 $0x1FFFFFF0, s16;
	s16 =	spop (v2sf)  }
0x73: {  	[tilespmem:s14], [sflag:$0x1] =	stream.linear.gather [hbm4b:s12+s2], $0x80, $0x38;
	[tilespmem:$0x10200] =	vst v63  }
0x74: {  	s12 =	sadd.s32 s3, s15;
	s14 =	sand.u32 $0x1FFFFFF0, s16;
	s15 =	spop (v2sf)  }
0x75: {  	[tilespmem:s11], [sflag:$0x1] =	stream.linear.gather [hbm4b:s12+s2], $0x80, $0x38;
	[tilespmem:$0x10200] =	vst v63  }
0x76: {  	s11 =	sadd.s32 s3, s13;
	s12 =	sand.u32 $0x1FFFFFF0, s15;
	s13 =	spop (v2sf)  }
0x77: {  	[tilespmem:s7], [sflag:$0x1] =	stream.linear.gather [hbm4b:s11+s2], $0x80, $0x38;
	[tilespmem:$0x10200] =	vst v63  }
0x78: {  	s7 =	sadd.s32 s3, s14;
	s11 =	sand.u32 $0x1FFFFFF0, s13;
	s13 =	spop (v2sf)  }
0x79: {  	[tilespmem:s0], [sflag:$0x1] =	stream.linear.gather [hbm4b:s7+s2], $0x80, $0x38;
	[tilespmem:$0x10200] =	vst v63  }
0x7a: {  	s0 =	sadd.s32 s3, s12;
	s7 =	sand.u32 $0x1FFFFFF0, s13  }
0x7b: {  	[tilespmem:s1], [sflag:$0x1] =	stream.linear.gather [hbm4b:s0+s2], $0x80, $0x38;
	[tilespmem:$0x10200] =	vst v63  }
0x7c: {  	s29 =	sadd.s32 $0x10, s29;
	s0 =	sadd.s32 $0x1100, s28;
	s1 =	sadd.s32 s3, s11  }
0x7d: {  	[tilespmem:s0], [sflag:$0x1] =	stream.linear.gather [hbm4b:s1+s2], $0x80, $0x38;
	[tilespmem:$0x10200] =	vst v63  }
0x7e: {  	s0 =	sadd.s32 $0x1180, s28;
	s1 =	sadd.s32 s3, s7  }
0x7f: {  	[tilespmem:s0], [sflag:$0x1] =	stream.linear.gather [hbm4b:s1+s2], $0x80, $0x38;
	[tilespmem:$0x10200] =	vst v63  }
0x80: {  	_ =	swait.ge [sflag:s25], $0x800  }
0x81: {  	[sflag:s25] =	ssyncset.done $0x0  }
0x82: {  	[sflag:s25] =	ssyncadd.s32 $0xFFFFF800  }
0x83: {  	v0 =	vld [tilespmem:s29+$0x0];
	_ =	sdelay $0x4  }
0x84: {  	v0 =	vshll.u32 v0, $0x4  }
0x85: {  	(v2sf) =	vpush v0, $0x0  }
0x86: {  	(v2sf) =	vpush v0, $0x1  }
0x87: {  	(v2sf) =	vpush v0, $0x2;
	_ =	sdelay $0x1  }
0x88: {  	(v2sf) =	vpush v0, $0x4  }
.Ltmp0:
0x89: {  	(pc) =	sbr.rel @p0 .LBB2_2-.Ltmp0, $3  }
0x8a: {  	(v2sf) =	vpush v0, $0x3  }
0x8b: {  	(v2sf) =	vpush v0, $0x5;
	_ =	sdelay $0x1  }
0x8c: {  	s28 =	sshra.s32 s31, $0x2;
	(v2sf) =	vpush v0, $0x6  }
0x8d: {  	_ =	sdelay $0x1  }
0x8e: {  	s11 =	sadd.s32 $0xA80, s28;
	s7 =	sadd.s32 $0xF80, s28  }
0x8f: {  	s12 =	sadd.s32 $0xD80, s28;
	s0 =	sadd.s32 $0x1000, s28;
	(v2sf) =	vpush v0, $0x7;
	s13 =	sadd.s32 $0xC80, s28  }
0x90: {  	s14 =	sadd.s32 $0xE00, s28;
	s1 =	sadd.s32 $0x1080, s28;
	s15 =	sadd.s32 $0xA00, s28  }
0x91: {  	s16 =	sadd.s32 $0xC00, s28;
	s17 =	sadd.s32 $0xD00, s28;
	(v2sf) =	vpush v0, $0x8;
	s18 =	spop (v2sf)  }
0x92: {  	s19 =	sadd.s32 $0xB00, s28;
	s18 =	sand.u32 $0x1FFFFFF0, s18;
	s20 =	spop (v2sf)  }
0x93: {  	(v2sf) =	vpush v0, $0x9;
	s18 =	sadd.s32 s3, s18;
	s20 =	sand.u32 $0x1FFFFFF0, s20;
	s21 =	spop (v2sf)  }
0x94: {  	[tilespmem:s15], [sflag:$0x1] =	stream.linear.gather [hbm4b:s18+s2], $0x80, $0x38;
	[tilespmem:$0x10200] =	vst v63  }
0x95: {  	(v2sf) =	vpush v0, $0xA;
	s22 =	sadd.s32 s3, s20;
	s29 =	sand.u32 $0x1FFFFFF0, s21;
	s23 =	spop (v2sf)  }
0x96: {  	[tilespmem:s11], [sflag:$0x1] =	stream.linear.gather [hbm4b:s22+s2], $0x80, $0x38;
	[tilespmem:$0x10200] =	vst v63  }
0x97: {  	s15 =	sadd.s32 $0xF00, s28;
	(v2sf) =	vpush v0, $0xB;
	s18 =	sadd.s32 s3, s29;
	s30 =	spop (v2sf)  }
0x98: {  	s11 =	sadd.s32 $0xE80, s28;
	s22 =	sadd.s32 $0xB80, s28;
	s21 =	sand.u32 $0x1FFFFFF0, s30  }
0x99: {  	(v2sf) =	vpush v0, $0xC;
	[tilespmem:s19], [sflag:$0x1] =	stream.linear.gather [hbm4b:s18+s2], $0x80, $0x38;
	[tilespmem:$0x10200] =	vst v63  }
0x9a: {  	s31 =	sand.u32 $0x1FFFFFF0, s23;
	s23 =	spop (v2sf);
	s29 =	sadd.s32 s3, s21  }
0x9b: {  	(v2sf) =	vpush v0, $0xD;
	[tilespmem:s22], [sflag:$0x1] =	stream.linear.gather [hbm4b:s29+s2], $0x80, $0x38;
	[tilespmem:$0x10200] =	vst v63  }
0x9c: {  	s18 =	sadd.s32 s3, s31;
	s19 =	sand.u32 $0x1FFFFFF0, s23;
	s30 =	spop (v2sf)  }
0x9d: {  	(v2sf) =	vpush v0, $0xE;
	[tilespmem:s16], [sflag:$0x1] =	stream.linear.gather [hbm4b:s18+s2], $0x80, $0x38;
	[tilespmem:$0x10200] =	vst v63  }
0x9e: {  	s19 =	sadd.s32 s3, s19;
	s31 =	sand.u32 $0x1FFFFFF0, s30;
	s20 =	spop (v2sf)  }
0x9f: {  	(v2sf) =	vpush v0, $0xF;
	[tilespmem:s13], [sflag:$0x1] =	stream.linear.gather [hbm4b:s19+s2], $0x80, $0x38;
	[tilespmem:$0x10200] =	vst v63  }
0xa0: {  	s21 =	sand.u32 $0x1FFFFFF0, s20;
	s22 =	spop (v2sf);
	s16 =	sadd.s32 s3, s31  }
0xa1: {  	[tilespmem:s17], [sflag:$0x1] =	stream.linear.gather [hbm4b:s16+s2], $0x80, $0x38;
	[tilespmem:$0x10200] =	vst v63  }
0xa2: {  	s23 =	sand.u32 $0x1FFFFFF0, s22;
	s13 =	sadd.s32 s3, s21;
	s29 =	spop (v2sf)  }
0xa3: {  	[tilespmem:s12], [sflag:$0x1] =	stream.linear.gather [hbm4b:s13+s2], $0x80, $0x38;
	[tilespmem:$0x10200] =	vst v63  }
0xa4: {  	s16 =	sadd.s32 s3, s23;
	s30 =	sand.u32 $0x1FFFFFF0, s29;
	s31 =	spop (v2sf)  }
0xa5: {  	[tilespmem:s14], [sflag:$0x1] =	stream.linear.gather [hbm4b:s16+s2], $0x80, $0x38;
	[tilespmem:$0x10200] =	vst v63  }
0xa6: {  	s13 =	sand.u32 $0x1FFFFFF0, s31;
	s12 =	sadd.s32 s3, s30;
	s16 =	spop (v2sf)  }
0xa7: {  	[tilespmem:s11], [sflag:$0x1] =	stream.linear.gather [hbm4b:s12+s2], $0x80, $0x38;
	[tilespmem:$0x10200] =	vst v63  }
0xa8: {  	s13 =	sadd.s32 s3, s13;
	s17 =	sand.u32 $0x1FFFFFF0, s16;
	s18 =	spop (v2sf)  }
0xa9: {  	[tilespmem:s15], [sflag:$0x1] =	stream.linear.gather [hbm4b:s13+s2], $0x80, $0x38;
	[tilespmem:$0x10200] =	vst v63  }
0xaa: {  	s11 =	sadd.s32 s3, s17;
	s12 =	sand.u32 $0x1FFFFFF0, s18;
	s19 =	spop (v2sf)  }
0xab: {  	[tilespmem:s7], [sflag:$0x1] =	stream.linear.gather [hbm4b:s11+s2], $0x80, $0x38;
	[tilespmem:$0x10200] =	vst v63  }
0xac: {  	s20 =	sand.u32 $0x1FFFFFF0, s19;
	s12 =	sadd.s32 s3, s12;
	s21 =	spop (v2sf)  }
0xad: {  	[tilespmem:s0], [sflag:$0x1] =	stream.linear.gather [hbm4b:s12+s2], $0x80, $0x38;
	[tilespmem:$0x10200] =	vst v63  }
0xae: {  	s22 =	sand.u32 $0x1FFFFFF0, s21;
	s23 =	spop (v2sf);
	s7 =	sadd.s32 s3, s20  }
0xaf: {  	[tilespmem:s1], [sflag:$0x1] =	stream.linear.gather [hbm4b:s7+s2], $0x80, $0x38;
	[tilespmem:$0x10200] =	vst v63  }
0xb0: {  	s30 =	sadd.s32 $0x1100, s28;
	s29 =	sand.u32 $0x1FFFFFF0, s23;
	s0 =	sadd.s32 s3, s22  }
0xb1: {  	[tilespmem:s30], [sflag:$0x1] =	stream.linear.gather [hbm4b:s0+s2], $0x80, $0x38;
	[tilespmem:$0x10200] =	vst v63  }
0xb2: {  	s31 =	sadd.s32 $0x1180, s28;
	s1 =	sadd.s32 s3, s29  }
0xb3: {  	[tilespmem:s31], [sflag:$0x1] =	stream.linear.gather [hbm4b:s1+s2], $0x80, $0x38;
	[tilespmem:$0x10200] =	vst v63  }
0xb4: {  	_ =	swait.ge [sflag:s25], $0x800  }
0xb5: {  	[sflag:s25] =	ssyncset.done $0x0  }
0xb6: {  	[sflag:s25] =	ssyncadd.s32 $0xFFFFF800  }
0xb7: {  	s26 =	sadd.s32 $0x1, s26;
	_ =	swait.ge [sflag:s25], $0x800  }
0xb8: {  	p0 =	sne.s32 s26, s6;
	[sflag:s25] =	ssyncset.done $0x0  }
.Ltmp1:
0xb9: {  	[sflag:s25] =	ssyncadd.s32 $0xFFFFF800;
	(pc) =	sbr.rel @p0 .LBB2_1-.Ltmp1, $4  }
0xba: {  	[hbm4b:s5+s2] =	stream.linear.scatter [tilespmem:s10], [sflag:$0x2], $0x10000, $0x38;
	[tilespmem:$0x10200] =	vst v63  }
0xbb: {  	_ =	swait.ge [sflag:s9], $0x10000  }
0xbc: {  	[sflag:s9] =	ssyncset.done $0x0  }
0xbd: {  	[sflag:s9] =	ssyncadd.s32 $0xFFFF0000  }
0xbe: {  	_ =	sfence.sel $0x180000  }
0xbf: {  	[bflag:$0x0] =	sbarrier.arrive $0xFFFF  }
0xc0: {  	_ =	strace $0x90000047  }
0xc1: {  	s0 =	stileid.u32;
	[bflag:$0x2] =	sbarrier.arrive $0xFFFF  }
0xc2: {  	p0 =	sne.s32 s0, $0x0;
	s0 =	rddreg [dreg:$0x2]  }
0xc3: {  	s0 =	sadd.s32 @!p0 $0x100000, s0  }
0xc4: {  	[sflag:s0] =	ssyncadd.tile.s32 @!p0 $0x1;
	_ =	shalt  }
.Lfunc_end2:
_tile_overlayer_lowered:
.L_overlay_start_2:
0xc5: {  	(tag) =	ssettag $0x2  }
0xc6: {  	s0 =	rddreg [dreg:$0x0];
	s2 =	stileid.u32  }
0xc7: {  	s1 =	rddreg [dreg:$0x1];
	p0 =	sne.s32 s2, $0x0  }
0xc8: {  	s3 =	rddreg [dreg:$0x2];
	[bflag:$0x3] =	sbarrier.arrive $0xFFFF;
	s2 =	simm.s32 @!p0 $0x1C02  }
0xc9: {  	[timem:s3], [sflag:s2] =	dma.local @!p0 [hbm:s0], s1  }
0xca: {  	s0 =	simm.s32 @!p0 $0x2  }
0xcb: {  	_ =	swait.ge @!p0 [sflag:s0], s1  }
0xcc: {  	s1 =	ssub.s32 @!p0 $0x0, s1;
	[sflag:s0] =	ssyncset.done @!p0 $0x0  }
0xcd: {  	[sflag:s0] =	ssyncadd.s32 @!p0 s1  }
0xce: {  	[bflag:$0x3] =	sbarrier.arrive $0xFFFF  }
0xcf: {  	_ =	shalt  }

</sc_bundles>
